<compile_context>
chip_gen: v7x
topology: tpu7x:2x2x1
jax: 0.10.2.dev20260603
libtpu: 0.0.44.dev20260713+nightly
codegen_flags: <defaults>
</compile_context>

<pallas_src>
import functools

import jax
import jax.numpy as jnp
from jax import lax
from jax.experimental import pallas as pl
from jax.experimental.pallas import tpu as pltpu
from jax.experimental.pallas import tpu_sc as plsc

N_NODES = 10000
N_EDGES = 320000
F = 80
VF = 48
D = F + VF

NC, NS = 2, 16
NW = NC * NS
EPW = N_EDGES // NW
K = 80
NCHUNK = EPW // K
RPT = 624
REM = N_NODES - RPT * NS

def _gather_body(x_hbm, src_hbm, dst_hbm, xj_hbm, outc_hbm,
                 accc, idx_v, rows_v, didx_v, ones_v, stg_v, sem):
    cid = lax.axis_index("c")
    sid = lax.axis_index("s")
    wid = sid * NC + cid
    base = wid * EPW
    rows0 = pl.multiple_of(sid * RPT, 8)

    _fill16(ones_v, 1.0)
    _fill16(stg_v, 0.0)

    def zstep(t, carry):
        r = pl.multiple_of(rows0 + t * ZCH, 8)
        pltpu.sync_copy(stg_v, accc.at[pl.ds(r, ZCH)])
        return carry

    lax.fori_loop(0, RPT // ZCH, zstep, 0)

    @pl.when(sid == NS - 1)
    def _():
        pltpu.sync_copy(stg_v.at[pl.ds(0, REM)],
                        accc.at[pl.ds(RPT * NS, REM)])

    plsc.subcore_barrier()

    def step(j, carry):
        off = pl.multiple_of(base + j * K, K)
        pltpu.sync_copy(src_hbm.at[pl.ds(off, K)], idx_v)
        pltpu.async_copy(x_hbm.at[idx_v], rows_v, sem).wait()
        pltpu.sync_copy(rows_v, xj_hbm.at[pl.ds(off, K)])
        pltpu.sync_copy(dst_hbm.at[pl.ds(off, K)], didx_v)
        pltpu.sync_copy(ones_v, accc.at[didx_v], add=True)
        return carry

    lax.fori_loop(0, NCHUNK, step, 0)
    plsc.subcore_barrier()

    def ostep(t, carry):
        r = pl.multiple_of(rows0 + t * ZCH, 8)
        pltpu.sync_copy(accc.at[pl.ds(r, ZCH)], stg_v)
        pltpu.sync_copy(stg_v, outc_hbm.at[cid, pl.ds(r, ZCH)])
        return carry

    lax.fori_loop(0, RPT // ZCH, ostep, 0)

    @pl.when(sid == NS - 1)
    def _():
        pltpu.sync_copy(accc.at[pl.ds(RPT * NS, REM)], stg_v.at[pl.ds(0, REM)])
        pltpu.sync_copy(stg_v.at[pl.ds(0, REM)],
                        outc_hbm.at[cid, pl.ds(RPT * NS, REM)])


@functools.cache
def _gather():
    mesh = plsc.VectorSubcoreMesh(
        core_axis_name="c", subcore_axis_name="s",
        num_cores=NC, num_subcores=NS)
    return pl.kernel(
        _gather_body,
        out_type=(jax.ShapeDtypeStruct((N_EDGES, D), jnp.float32),
                  jax.ShapeDtypeStruct((NC, N_NODES, D), jnp.float32)),
        mesh=mesh,
        scratch_types=[
            pltpu.VMEM_SHARED((N_NODES, D), jnp.float32),
            pltpu.VMEM((K,), jnp.int32),
            pltpu.VMEM((K, D), jnp.float32),
            pltpu.VMEM((K,), jnp.int32),
            pltpu.VMEM((K, D), jnp.float32),
            pltpu.VMEM((ZCH, D), jnp.float32),
            pltpu.SemaphoreType.DMA,
        ],
    )


ZCH = 48


def _fill16(ref, val):
    rows, cols = ref.shape
    cpr = cols // 16
    vec = jnp.full((16,), val, jnp.float32)

    def body(i, carry):
        ref[i // cpr, pl.ds((i % cpr) * 16, 16)] = vec
        return carry

    lax.fori_loop(0, rows * cpr, body, 0)


def _scatter_body(msg_hbm, dst_hbm, outm_hbm, accm, idx_v, msg_v, stgm_v):
    cid = lax.axis_index("c")
    sid = lax.axis_index("s")
    wid = sid * NC + cid
    rows0 = pl.multiple_of(sid * RPT, 8)

    _fill16(stgm_v, 0.0)

    def zstep(t, carry):
        r = pl.multiple_of(rows0 + t * ZCH, 8)
        pltpu.sync_copy(stgm_v, accm.at[pl.ds(r, ZCH)])
        return carry

    lax.fori_loop(0, RPT // ZCH, zstep, 0)

    @pl.when(sid == NS - 1)
    def _():
        pltpu.sync_copy(stgm_v.at[pl.ds(0, REM)],
                        accm.at[pl.ds(RPT * NS, REM)])

    plsc.subcore_barrier()

    def step(j, carry):
        off = pl.multiple_of(wid * EPW + j * K, K)
        pltpu.sync_copy(dst_hbm.at[pl.ds(off, K)], idx_v)
        pltpu.sync_copy(msg_hbm.at[pl.ds(off, K)], msg_v)
        pltpu.sync_copy(msg_v, accm.at[idx_v], add=True)
        return carry

    lax.fori_loop(0, NCHUNK, step, 0)
    plsc.subcore_barrier()

    def ostep(t, carry):
        r = pl.multiple_of(rows0 + t * ZCH, 8)
        pltpu.sync_copy(accm.at[pl.ds(r, ZCH)], stgm_v)
        pltpu.sync_copy(stgm_v, outm_hbm.at[cid, pl.ds(r, ZCH)])
        return carry

    lax.fori_loop(0, RPT // ZCH, ostep, 0)

    @pl.when(sid == NS - 1)
    def _():
        pltpu.sync_copy(accm.at[pl.ds(RPT * NS, REM)], stgm_v.at[pl.ds(0, REM)])
        pltpu.sync_copy(stgm_v.at[pl.ds(0, REM)],
                        outm_hbm.at[cid, pl.ds(RPT * NS, REM)])


@functools.cache
def _scatter():
    mesh = plsc.VectorSubcoreMesh(
        core_axis_name="c", subcore_axis_name="s",
        num_cores=NC, num_subcores=NS)
    return pl.kernel(
        _scatter_body,
        out_type=jax.ShapeDtypeStruct((NC, N_NODES, D), jnp.float32),
        mesh=mesh,
        scratch_types=[
            pltpu.VMEM_SHARED((N_NODES, D), jnp.float32),
            pltpu.VMEM((K,), jnp.int32),
            pltpu.VMEM((K, D), jnp.float32),
            pltpu.VMEM((ZCH, D), jnp.float32),
        ],
    )


def _dot(a, b):
    return jnp.dot(a, b, preferred_element_type=jnp.float32)


def _gvp(f, v, WhE, WuE, Ssh, Sg, SgT, Wff, Wfs, b):
    Vh = _dot(v, WhE)
    sh = jnp.sqrt(_dot(Vh * Vh, Ssh) + 1e-12)
    Vu = _dot(Vh, WuE)
    fo = jax.nn.sigmoid(_dot(f, Wff) + _dot(sh, Wfs) + b)
    g = jnp.sqrt(_dot(Vu * Vu, Sg) + 1e-12)
    vo = _dot(jax.nn.sigmoid(g), SgT) * Vu
    return fo, vo


def _edge_body(xj, ea,
               WhEx, WhEe, WuE1, S32, S16, S16T,
               Wf1x, Wf1e, Wf1s, b1,
               WhE2, WuE2, Wf2f, Wf2s, b2,
               WhE3, WuE3, Wf3f, Wf3s, b3,
               out):
    xjv = xj[:, F:]
    eav = ea[:, F:]
    Vh = _dot(xjv, WhEx[...]) + _dot(eav, WhEe[...])
    sh = jnp.sqrt(_dot(Vh * Vh, S32[...]) + 1e-12)
    Vu = _dot(Vh, WuE1[...])
    f = jax.nn.sigmoid(_dot(xj[:, :F], Wf1x[...]) + _dot(ea[:, :F], Wf1e[...])
                       + _dot(sh, Wf1s[...]) + b1[...])
    g = jnp.sqrt(_dot(Vu * Vu, S16[...]) + 1e-12)
    v = _dot(jax.nn.sigmoid(g), S16T[...]) * Vu
    f, v = _gvp(f, v, WhE2[...], WuE2[...], S16[...], S16[...], S16T[...],
                Wf2f[...], Wf2s[...], b2[...])
    f, v = _gvp(f, v, WhE3[...], WuE3[...], S16[...], S16[...], S16T[...],
                Wf3f[...], Wf3s[...], b3[...])
    out[:, :F] = f
    out[:, F:] = v


def _node_body(pm, pc,
               ln0g, ln0b,
               WhEa, WuEa, S32n, S32nT, WfAf, WfAs, bA,
               WhEb, WuEb, S16n, S16nT, WfBf, WfBs, bB,
               ln1g, ln1b, Wdf, Wdv, bd,
               out):
    agg = pm[0] + pm[1]
    cnt = pc[0, :, :1] + pc[1, :, :1]
    inv = 1.0 / jnp.maximum(cnt, 1.0)
    f = agg[:, :F] * inv
    vf = agg[:, F:] * inv
    mu = jnp.mean(f, axis=1, keepdims=True)
    var = jnp.mean((f - mu) ** 2, axis=1, keepdims=True)
    nf = (f - mu) / jnp.sqrt(var + 1e-5) * ln0g[...] + ln0b[...]
    vn = jnp.sqrt(jnp.sum(vf * vf, axis=1, keepdims=True))
    vln = vf / (vn + 1e-8)
    f2, v2 = _gvp(nf, vln, WhEa[...], WuEa[...], S32n[...], S32n[...],
                  S32nT[...], WfAf[...], WfAs[...], bA[...])
    f2, v2 = _gvp(f2, v2, WhEb[...], WuEb[...], S32n[...], S16n[...],
                  S16nT[...], WfBf[...], WfBs[...], bB[...])
    f3 = nf + f2
    v3 = vln + v2
    mu2 = jnp.mean(f3, axis=1, keepdims=True)
    var2 = jnp.mean((f3 - mu2) ** 2, axis=1, keepdims=True)
    nf2 = (f3 - mu2) / jnp.sqrt(var2 + 1e-5) * ln1g[...] + ln1b[...]
    vn2 = jnp.sqrt(jnp.sum(v3 * v3, axis=1, keepdims=True))
    v3n = v3 / (vn2 + 1e-8)
    out[...] = _dot(nf2, Wdf[...]) + _dot(v3n, Wdv[...]) + bd[...]


BE = 2000
BN = 1000


def _full(a):
    return pl.BlockSpec(a.shape, lambda i: tuple(0 for _ in a.shape))


def _edge_call(xj, ea, weights):
    specs = ([pl.BlockSpec((BE, D), lambda i: (i, 0))] * 2
             + [_full(w) for w in weights])
    return pl.pallas_call(
        _edge_body,
        grid=(N_EDGES // BE,),
        in_specs=specs,
        out_specs=pl.BlockSpec((BE, D), lambda i: (i, 0)),
        out_shape=jax.ShapeDtypeStruct((N_EDGES, D), jnp.float32),
    )(xj, ea, *weights)


def _node_call(pm, pc, weights):
    specs = ([pl.BlockSpec((NC, BN, D), lambda i: (0, i, 0)),
              pl.BlockSpec((NC, BN, D), lambda i: (0, i, 0))]
             + [_full(w) for w in weights])
    return pl.pallas_call(
        _node_body,
        grid=(N_NODES // BN,),
        in_specs=specs,
        out_specs=pl.BlockSpec((BN, 1), lambda i: (i, 0)),
        out_shape=jax.ShapeDtypeStruct((N_NODES, 1), jnp.float32),
    )(pm, pc, *weights)


def _expand(W):
    return jnp.kron(W, jnp.eye(3, dtype=W.dtype))


def _sel(h):
    return jnp.kron(jnp.eye(h, dtype=jnp.float32), jnp.ones((3, 1), jnp.float32))


def _edge_weights(lp):
    g1, g2, g3 = lp['wev']
    WhE1 = _expand(g1['Wh'])
    S32 = _sel(32)
    S16 = _sel(16)
    return (WhE1[:VF], WhE1[VF:], _expand(g1['Wu']), S32, S16, S16.T,
            g1['Wf'][:F], g1['Wf'][F:2 * F], g1['Wf'][2 * F:],
            g1['bf'][None, :],
            _expand(g2['Wh']), _expand(g2['Wu']),
            g2['Wf'][:F], g2['Wf'][F:], g2['bf'][None, :],
            _expand(g3['Wh']), _expand(g3['Wu']),
            g3['Wf'][:F], g3['Wf'][F:], g3['bf'][None, :])


def _node_weights(lp, Wd, bd):
    ga, gb = lp['wdh']
    S32 = _sel(32)
    S16 = _sel(16)
    return (lp['ln0_g'][None, :], lp['ln0_b'][None, :],
            _expand(ga['Wh']), _expand(ga['Wu']), S32, S32.T,
            ga['Wf'][:F], ga['Wf'][F:], ga['bf'][None, :],
            _expand(gb['Wh']), _expand(gb['Wu']), S16, S16.T,
            gb['Wf'][:4 * F], gb['Wf'][4 * F:], gb['bf'][None, :],
            lp['ln1_g'][None, :], lp['ln1_b'][None, :],
            Wd[:F], Wd[F:], bd[None, :])


def kernel(x, edge_index, edge_attr, params):
    lp = params['layers'][-1]
    src, dst = edge_index[0], edge_index[1]
    xj, pc = _gather()(x, src, dst)
    msg = _edge_call(xj, edge_attr, _edge_weights(lp))
    pm = _scatter()(msg, dst)
    return _node_call(pm, pc, _node_weights(lp, params['Wd'], params['bd']))

# --- scband reference (transcript-rebuilt; emitter-appended) ---
"""Pipeline reference for scband-synthetic-gvp-63599875719282 (READ-ONLY COPY).

The authoritative reference and input builder live on the scoring server;
editing this copy changes nothing except your own understanding.
"""

import jax, jax.numpy as jnp
import numpy as np

N_NODES = 10000
N_EDGES = 320000
F_IN = 80
V_IN = 16
F_H = 80
V_H = 16
VDIM = 3


def _gvp_params(key, v_in, v_out, f_in, f_out):
    k1, k2, k3 = jax.random.split(key, 3)
    h = max(v_in, v_out)
    return {
        'Wh': jax.random.normal(k1, (v_in, h), jnp.float32) / np.sqrt(v_in),
        'Wu': jax.random.normal(k2, (h, v_out), jnp.float32) / np.sqrt(h),
        'Wf': jax.random.normal(k3, (h + f_in, f_out), jnp.float32) / np.sqrt(h + f_in),
        'bf': jnp.zeros((f_out,), jnp.float32),
    }


def _mpnn_params(key):
    ks = jax.random.split(key, 5)
    return {
        'wev': [
            _gvp_params(ks[0], V_IN + V_IN, V_H, F_IN + F_IN, F_H),
            _gvp_params(ks[1], V_H, V_H, F_H, F_H),
            _gvp_params(ks[2], V_H, V_H, F_H, F_H),
        ],
        'wdh': [
            _gvp_params(ks[3], V_H, 2 * V_H, F_H, 4 * F_H),
            _gvp_params(ks[4], 2 * V_H, V_H, 4 * F_H, F_H),
        ],
        'ln0_g': jnp.ones((F_H,), jnp.float32), 'ln0_b': jnp.zeros((F_H,), jnp.float32),
        'ln1_g': jnp.ones((F_H,), jnp.float32), 'ln1_b': jnp.zeros((F_H,), jnp.float32),
    }


def _gvp_apply(p, feats, vectors):
    # vectors: [B, v, 3]; geometric vector perceptron (lucidrains-style)
    Vh = jnp.einsum('nvc,vh->nhc', vectors, p['Wh'])
    Vu = jnp.einsum('nhc,hu->nuc', Vh, p['Wu'])
    sh = jnp.sqrt(jnp.sum(Vh * Vh, axis=-1) + 1e-12)
    s = jnp.concatenate([feats, sh], axis=-1)
    feats_out = jax.nn.sigmoid(s @ p['Wf'] + p['bf'])
    gate = jnp.sqrt(jnp.sum(Vu * Vu, axis=-1, keepdims=True) + 1e-12)
    vectors_out = jax.nn.sigmoid(gate) * Vu
    return feats_out, vectors_out


def _gvp_layernorm(feats, vectors, g, b):
    mu = jnp.mean(feats, axis=-1, keepdims=True)
    var = jnp.var(feats, axis=-1, keepdims=True)
    nf = (feats - mu) / jnp.sqrt(var + 1e-5) * g + b
    vn = jnp.sqrt(jnp.sum(vectors * vectors, axis=(-1, -2), keepdims=True))
    return nf, vectors / (vn + 1e-8)


def _mpnn_apply(p, x, edge_index, edge_attr):
    # PyG MessagePassing with aggr='mean', flow source_to_target
    src, dst = edge_index[0], edge_index[1]
    x_j = x[src]
    feats = jnp.concatenate([x_j[:, :F_IN], edge_attr[:, :F_IN]], axis=-1)
    vectors = jnp.concatenate([x_j[:, F_IN:], edge_attr[:, F_IN:]], axis=-1).reshape(x_j.shape[0], -1, VDIM)
    for gp in p['wev']:
        feats, vectors = _gvp_apply(gp, feats, vectors)
    msg = jnp.concatenate([feats, vectors.reshape(vectors.shape[0], -1)], axis=-1)
    agg = jax.ops.segment_sum(msg, dst, num_segments=x.shape[0])
    cnt = jax.ops.segment_sum(jnp.ones((msg.shape[0],), msg.dtype), dst, num_segments=x.shape[0])
    agg = agg / jnp.maximum(cnt, 1.0)[:, None]
    feats = agg[:, :F_H]
    vectors = agg[:, F_H:].reshape(agg.shape[0], -1, VDIM)
    feats, vectors = _gvp_layernorm(feats, vectors, p['ln0_g'], p['ln0_b'])
    f2, v2 = feats, vectors
    for gp in p['wdh']:
        f2, v2 = _gvp_apply(gp, f2, v2)
    feats, vectors = _gvp_layernorm(feats + f2, vectors + v2, p['ln1_g'], p['ln1_b'])
    return jnp.concatenate([feats, vectors.reshape(vectors.shape[0], -1)], axis=-1)


def _forward(params, x, edge_index, edge_attr):
    # faithful to original bug: x is never updated, each layer reads original x,
    # 'out' is overwritten each iteration so only the last layer feeds the dense head
    out = x
    for lp in params['layers']:
        out = _mpnn_apply(lp, x, edge_index, edge_attr)
    return out @ params['Wd'] + params['bd']


def setup_inputs(seed: int = 0) -> dict:
    key = jax.random.key(seed)
    ks = jax.random.split(key, 4)
    x = jax.random.normal(ks[0], (N_NODES, F_IN + V_IN * VDIM), jnp.float32)
    edge_index = jax.random.randint(ks[1], (2, N_EDGES), 0, N_NODES, jnp.int32)
    edge_attr = jax.random.normal(ks[2], (N_EDGES, F_IN + V_IN * VDIM), jnp.float32)
    layers = [_mpnn_params(jax.random.fold_in(key, i)) for i in range(3)]
    kd = jax.random.fold_in(key, 100)
    params = {
        'layers': layers,
        'Wd': jax.random.normal(kd, (F_H + V_H * VDIM, 1), jnp.float32) / np.sqrt(F_H + V_H * VDIM),
        'bd': jnp.zeros((1,), jnp.float32),
    }
    return {'x': x, 'edge_index': edge_index, 'edge_attr': edge_attr, 'params': params}


def reference(x, edge_index, edge_attr, params):
    return _forward(params, x, edge_index, edge_attr)

if __name__ == "__main__":
    import jax
    _d = setup_inputs()
    print(jax.jit(kernel)(*tuple(_d.values())))

</pallas_src>

<mosaic_0001>
#map = affine_map<(d0, d1) -> (0, 0)>
#map1 = affine_map<(d0, d1) -> (0)>
#map2 = affine_map<(d0, d1) -> (0, 0, 0)>
module attributes {stable_mosaic.version = 14 : i64} {
  func.func @_gather_body(%arg0: i32, %arg1: i32, %arg2: memref<10000x128xf32, #tpu.memory_space<hbm>>, %arg3: memref<320000xi32, #tpu.memory_space<hbm>>, %arg4: memref<320000xi32, #tpu.memory_space<hbm>>, %arg5: memref<320000x128xf32, #tpu.memory_space<hbm>>, %arg6: memref<2x10000x128xf32, #tpu.memory_space<hbm>>, %arg7: memref<10000x128xf32, #tpu.memory_space<vmem_shared>>, %arg8: memref<80xi32, #tpu.memory_space<vmem>>, %arg9: memref<80x128xf32, #tpu.memory_space<vmem>>, %arg10: memref<80xi32, #tpu.memory_space<vmem>>, %arg11: memref<80x128xf32, #tpu.memory_space<vmem>>, %arg12: memref<48x128xf32, #tpu.memory_space<vmem>>, %arg13: memref<!tpu.dma_semaphore, #tpu.memory_space<semaphore_mem>>) attributes {dimension_semantics = [#tpu.dimension_semantics<core_parallel>, #tpu.dimension_semantics<subcore_parallel>], iteration_bounds = array<i64: 2, 16>, scalar_prefetch = 0 : i64, scratch_operands = 7 : i64, tpu.core_type = #tpu.core_type<sc_vector_subcore>, window_params = [{transform_indices = #map}, {transform_indices = #map1}, {transform_indices = #map1}, {transform_indices = #map}, {transform_indices = #map2}]} {
    %mul3A = arith.constant 2 : i32
    %mul3A_0 = arith.muli %arg1, %mul3A : i32
    %add3A = arith.addi %mul3A_0, %arg0 : i32
    %mul3A_1 = arith.constant 10000 : i32
    %mul3A_2 = arith.muli %add3A, %mul3A_1 : i32
    %mul3A_3 = arith.constant 624 : i32
    %mul3A_4 = arith.muli %arg1, %mul3A_3 : i32
    %multiple_of3A = tpu.assume_multiple %mul3A_4, 8 : i32
    %broadcast_in_dim3A = arith.constant 1.000000e+00 : f32
    %broadcast_in_dim3A_5 = vector.broadcast %broadcast_in_dim3A : f32 to vector<16xf32>
    %scan3A = arith.constant 0 : i32
    %scan3A_6 = arith.constant 0 : i32
    %scan3A_7 = arith.constant 640 : i32
    %scan3A_8 = arith.addi %scan3A_6, %scan3A_7 : i32
    %scan3A_9 = arith.constant 1 : i32
    scf.for %scan3A_45 = %scan3A_6 to %scan3A_8 step %scan3A_9  : i32 {
      %jit3A = arith.constant 8 : i32
      %div3A = arith.divsi %scan3A_45, %jit3A : i32
      %sign3A = arith.constant 0 : i32
      %sign3A_46 = arith.cmpi sgt, %scan3A_45, %sign3A : i32
      %sign3A_47 = arith.extui %sign3A_46 : i1 to i32
      %sign3A_48 = arith.constant 0 : i32
      %sign3A_49 = arith.cmpi slt, %scan3A_45, %sign3A_48 : i32
      %sign3A_50 = arith.extui %sign3A_49 : i1 to i32
      %sign3A_51 = arith.subi %sign3A_47, %sign3A_50 : i32
      %sign3A_52 = arith.constant 0 : i32
      %sign3A_53 = arith.cmpi sgt, %jit3A, %sign3A_52 : i32
      %sign3A_54 = arith.extui %sign3A_53 : i1 to i32
      %sign3A_55 = arith.constant 0 : i32
      %sign3A_56 = arith.cmpi slt, %jit3A, %sign3A_55 : i32
      %sign3A_57 = arith.extui %sign3A_56 : i1 to i32
      %sign3A_58 = arith.subi %sign3A_54, %sign3A_57 : i32
      %ne3A = arith.cmpi ne, %sign3A_51, %sign3A_58 : i32
      %rem3A = arith.remsi %scan3A_45, %jit3A : i32
      %ne3A_59 = arith.constant 0 : i32
      %ne3A_60 = arith.cmpi ne, %rem3A, %ne3A_59 : i32
      %and3A = arith.andi %ne3A, %ne3A_60 : i1
      %sub3A = arith.constant 1 : i32
      %sub3A_61 = arith.subi %div3A, %sub3A : i32
      %select_n3A = arith.select %and3A, %sub3A_61, %div3A : i32
      %jit3A_62 = arith.constant 8 : i32
      %eq3A_63 = arith.constant 0 : i32
      %eq3A_64 = arith.cmpi eq, %jit3A_62, %eq3A_63 : i32
      %jit3A_65 = arith.constant 1 : i32
      %select_n3A_66 = arith.select %eq3A_64, %jit3A_65, %jit3A_62 : i32
      %rem3A_67 = arith.remsi %scan3A_45, %select_n3A_66 : i32
      %ne3A_68 = arith.constant 0 : i32
      %ne3A_69 = arith.cmpi ne, %rem3A_67, %ne3A_68 : i32
      %lt3A = arith.constant 0 : i32
      %lt3A_70 = arith.cmpi slt, %rem3A_67, %lt3A : i32
      %lt3A_71 = arith.constant 0 : i32
      %lt3A_72 = arith.cmpi slt, %select_n3A_66, %lt3A_71 : i32
      %ne3A_73 = arith.xori %lt3A_70, %lt3A_72 : i1
      %and3A_74 = arith.andi %ne3A_73, %ne3A_69 : i1
      %add3A_75 = arith.addi %rem3A_67, %select_n3A_66 : i32
      %select_n3A_76 = arith.select %and3A_74, %add3A_75, %rem3A_67 : i32
      %mul3A_77 = arith.constant 16 : i32
      %mul3A_78 = arith.muli %select_n3A_76, %mul3A_77 : i32
      %swap3A = arith.index_cast %select_n3A : i32 to index
      %swap3A_79 = arith.index_cast %mul3A_78 : i32 to index
      %swap3A_80 = tpu.vector_load %arg11[%swap3A, %swap3A_79] {strides = array<i32>} : memref<80x128xf32, #tpu.memory_space<vmem>>, vector<1x16xf32>,
      %swap3A_81 = vector.shape_cast %swap3A_80 : vector<1x16xf32> to vector<16xf32>
      %swap3A_82 = vector.shape_cast %broadcast_in_dim3A_5 : vector<16xf32> to vector<1x16xf32>
      tpu.vector_store %arg11[%swap3A, %swap3A_79], %swap3A_82 {strides = array<i32>} : memref<80x128xf32, #tpu.memory_space<vmem>>, vector<1x16xf32>,
    }
    %scan3A_10 = arith.constant 640 : i32
    %broadcast_in_dim3A_11 = arith.constant 0.000000e+00 : f32
    %broadcast_in_dim3A_12 = vector.broadcast %broadcast_in_dim3A_11 : f32 to vector<16xf32>
    %scan3A_13 = arith.constant 0 : i32
    %scan3A_14 = arith.constant 0 : i32
    %scan3A_15 = arith.constant 384 : i32
    %scan3A_16 = arith.addi %scan3A_14, %scan3A_15 : i32
    %scan3A_17 = arith.constant 1 : i32
    scf.for %scan3A_45 = %scan3A_14 to %scan3A_16 step %scan3A_17  : i32 {
      %jit3A = arith.constant 8 : i32
      %div3A = arith.divsi %scan3A_45, %jit3A : i32
      %sign3A = arith.constant 0 : i32
      %sign3A_46 = arith.cmpi sgt, %scan3A_45, %sign3A : i32
      %sign3A_47 = arith.extui %sign3A_46 : i1 to i32
      %sign3A_48 = arith.constant 0 : i32
      %sign3A_49 = arith.cmpi slt, %scan3A_45, %sign3A_48 : i32
      %sign3A_50 = arith.extui %sign3A_49 : i1 to i32
      %sign3A_51 = arith.subi %sign3A_47, %sign3A_50 : i32
      %sign3A_52 = arith.constant 0 : i32
      %sign3A_53 = arith.cmpi sgt, %jit3A, %sign3A_52 : i32
      %sign3A_54 = arith.extui %sign3A_53 : i1 to i32
      %sign3A_55 = arith.constant 0 : i32
      %sign3A_56 = arith.cmpi slt, %jit3A, %sign3A_55 : i32
      %sign3A_57 = arith.extui %sign3A_56 : i1 to i32
      %sign3A_58 = arith.subi %sign3A_54, %sign3A_57 : i32
      %ne3A = arith.cmpi ne, %sign3A_51, %sign3A_58 : i32
      %rem3A = arith.remsi %scan3A_45, %jit3A : i32
      %ne3A_59 = arith.constant 0 : i32
      %ne3A_60 = arith.cmpi ne, %rem3A, %ne3A_59 : i32
      %and3A = arith.andi %ne3A, %ne3A_60 : i1
      %sub3A = arith.constant 1 : i32
      %sub3A_61 = arith.subi %div3A, %sub3A : i32
      %select_n3A = arith.select %and3A, %sub3A_61, %div3A : i32
      %jit3A_62 = arith.constant 8 : i32
      %eq3A_63 = arith.constant 0 : i32
      %eq3A_64 = arith.cmpi eq, %jit3A_62, %eq3A_63 : i32
      %jit3A_65 = arith.constant 1 : i32
      %select_n3A_66 = arith.select %eq3A_64, %jit3A_65, %jit3A_62 : i32
      %rem3A_67 = arith.remsi %scan3A_45, %select_n3A_66 : i32
      %ne3A_68 = arith.constant 0 : i32
      %ne3A_69 = arith.cmpi ne, %rem3A_67, %ne3A_68 : i32
      %lt3A = arith.constant 0 : i32
      %lt3A_70 = arith.cmpi slt, %rem3A_67, %lt3A : i32
      %lt3A_71 = arith.constant 0 : i32
      %lt3A_72 = arith.cmpi slt, %select_n3A_66, %lt3A_71 : i32
      %ne3A_73 = arith.xori %lt3A_70, %lt3A_72 : i1
      %and3A_74 = arith.andi %ne3A_73, %ne3A_69 : i1
      %add3A_75 = arith.addi %rem3A_67, %select_n3A_66 : i32
      %select_n3A_76 = arith.select %and3A_74, %add3A_75, %rem3A_67 : i32
      %mul3A_77 = arith.constant 16 : i32
      %mul3A_78 = arith.muli %select_n3A_76, %mul3A_77 : i32
      %swap3A = arith.index_cast %select_n3A : i32 to index
      %swap3A_79 = arith.index_cast %mul3A_78 : i32 to index
      %swap3A_80 = tpu.vector_load %arg12[%swap3A, %swap3A_79] {strides = array<i32>} : memref<48x128xf32, #tpu.memory_space<vmem>>, vector<1x16xf32>,
      %swap3A_81 = vector.shape_cast %swap3A_80 : vector<1x16xf32> to vector<16xf32>
      %swap3A_82 = vector.shape_cast %broadcast_in_dim3A_12 : vector<16xf32> to vector<1x16xf32>
      tpu.vector_store %arg12[%swap3A, %swap3A_79], %swap3A_82 {strides = array<i32>} : memref<48x128xf32, #tpu.memory_space<vmem>>, vector<1x16xf32>,
    }
    %scan3A_18 = arith.constant 384 : i32
    %scan3A_19 = arith.constant 0 : i32
    %scan3A_20 = arith.constant 0 : i32
    %scan3A_21 = arith.constant 13 : i32
    %scan3A_22 = arith.addi %scan3A_20, %scan3A_21 : i32
    %scan3A_23 = arith.constant 1 : i32
    scf.for %scan3A_45 = %scan3A_20 to %scan3A_22 step %scan3A_23  : i32 {
      %mul3A_46 = arith.constant 48 : i32
      %mul3A_47 = arith.muli %scan3A_45, %mul3A_46 : i32
      %add3A_48 = arith.addi %multiple_of3A, %mul3A_47 : i32
      %multiple_of3A_49 = tpu.assume_multiple %add3A_48, 8 : i32
      "tpu.region"() ({
        %run_scoped3A = tpu.sem_alloc : memref<!tpu.dma_semaphore, #tpu.memory_space<semaphore_mem>>
        %dma_start3A = arith.constant 0 : i32
        %dma_start3A_50 = tpu.memref_slice %arg7[%multiple_of3A_49, %dma_start3A] : memref<10000x128xf32, #tpu.memory_space<vmem_shared>> -> memref<48x128xf32, #tpu.memory_space<vmem_shared>>
        %dma_start3A_51 = arith.constant 0 : i32
        %dma_start3A_52 = tpu.memref_slice %arg7[%multiple_of3A_49, %dma_start3A_51] : memref<10000x128xf32, #tpu.memory_space<vmem_shared>> -> memref<48x128xf32, #tpu.memory_space<vmem_shared>>
        tpu.enqueue_dma source(%arg12 : memref<48x128xf32, #tpu.memory_space<vmem>>) target(%dma_start3A_52 : memref<48x128xf32, #tpu.memory_space<vmem_shared>>) target_semaphore(%run_scoped3A : memref<!tpu.dma_semaphore, #tpu.memory_space<semaphore_mem>>)
        %dma_wait3A = arith.constant 0 : i32
        %dma_wait3A_53 = tpu.memref_slice %arg7[%multiple_of3A_49, %dma_wait3A] : memref<10000x128xf32, #tpu.memory_space<vmem_shared>> -> memref<48x128xf32, #tpu.memory_space<vmem_shared>>
        %dma_wait3A_54 = arith.constant 0 : i32
        %dma_wait3A_55 = tpu.memref_slice %arg7[%multiple_of3A_49, %dma_wait3A_54] : memref<10000x128xf32, #tpu.memory_space<vmem_shared>> -> memref<48x128xf32, #tpu.memory_space<vmem_shared>>
        tpu.wait_dma2 semaphore(%run_scoped3A : memref<!tpu.dma_semaphore, #tpu.memory_space<semaphore_mem>>) src(%arg12 : memref<48x128xf32, #tpu.memory_space<vmem>>) dst(%dma_wait3A_55 : memref<48x128xf32, #tpu.memory_space<vmem_shared>>)
        tpu.yield
      }) : () -> ()
    }
    %scan3A_24 = arith.constant 13 : i32
    %eq3A = arith.constant 15 : i32
    %eq3A_25 = arith.cmpi eq, %arg1, %eq3A : i32
    %convert_element_type3A = arith.extui %eq3A_25 : i1 to i32
    %cond3A = arith.constant 0 : i32
    %cond3A_26 = arith.cmpi ne, %convert_element_type3A, %cond3A : i32
    scf.if %cond3A_26 {
      "tpu.region"() ({
        %run_scoped3A = tpu.sem_alloc : memref<!tpu.dma_semaphore, #tpu.memory_space<semaphore_mem>>
        %dma_start3A = arith.constant 0 : i32
        %dma_start3A_45 = arith.constant 0 : i32
        %dma_start3A_46 = tpu.memref_slice %arg12[%dma_start3A, %dma_start3A_45] : memref<48x128xf32, #tpu.memory_space<vmem>> -> memref<16x128xf32, #tpu.memory_space<vmem>>
        %dma_start3A_47 = arith.constant 9984 : i32
        %dma_start3A_48 = arith.constant 0 : i32
        %dma_start3A_49 = tpu.memref_slice %arg7[%dma_start3A_47, %dma_start3A_48] : memref<10000x128xf32, #tpu.memory_space<vmem_shared>> -> memref<16x128xf32, #tpu.memory_space<vmem_shared>>
        %dma_start3A_50 = arith.constant 9984 : i32
        %dma_start3A_51 = arith.constant 0 : i32
        %dma_start3A_52 = tpu.memref_slice %arg7[%dma_start3A_50, %dma_start3A_51] : memref<10000x128xf32, #tpu.memory_space<vmem_shared>> -> memref<16x128xf32, #tpu.memory_space<vmem_shared>>
        %dma_start3A_53 = arith.constant 0 : i32
        %dma_start3A_54 = arith.constant 0 : i32
        %dma_start3A_55 = tpu.memref_slice %arg12[%dma_start3A_53, %dma_start3A_54] : memref<48x128xf32, #tpu.memory_space<vmem>> -> memref<16x128xf32, #tpu.memory_space<vmem>>
        tpu.enqueue_dma source(%dma_start3A_55 : memref<16x128xf32, #tpu.memory_space<vmem>>) target(%dma_start3A_52 : memref<16x128xf32, #tpu.memory_space<vmem_shared>>) target_semaphore(%run_scoped3A : memref<!tpu.dma_semaphore, #tpu.memory_space<semaphore_mem>>)
        %dma_wait3A = arith.constant 0 : i32
        %dma_wait3A_56 = arith.constant 0 : i32
        %dma_wait3A_57 = tpu.memref_slice %arg12[%dma_wait3A, %dma_wait3A_56] : memref<48x128xf32, #tpu.memory_space<vmem>> -> memref<16x128xf32, #tpu.memory_space<vmem>>
        %dma_wait3A_58 = arith.constant 9984 : i32
        %dma_wait3A_59 = arith.constant 0 : i32
        %dma_wait3A_60 = tpu.memref_slice %arg7[%dma_wait3A_58, %dma_wait3A_59] : memref<10000x128xf32, #tpu.memory_space<vmem_shared>> -> memref<16x128xf32, #tpu.memory_space<vmem_shared>>
        %dma_wait3A_61 = arith.constant 9984 : i32
        %dma_wait3A_62 = arith.constant 0 : i32
        %dma_wait3A_63 = tpu.memref_slice %arg7[%dma_wait3A_61, %dma_wait3A_62] : memref<10000x128xf32, #tpu.memory_space<vmem_shared>> -> memref<16x128xf32, #tpu.memory_space<vmem_shared>>
        %dma_wait3A_64 = arith.constant 0 : i32
        %dma_wait3A_65 = arith.constant 0 : i32
        %dma_wait3A_66 = tpu.memref_slice %arg12[%dma_wait3A_64, %dma_wait3A_65] : memref<48x128xf32, #tpu.memory_space<vmem>> -> memref<16x128xf32, #tpu.memory_space<vmem>>
        tpu.wait_dma2 semaphore(%run_scoped3A : memref<!tpu.dma_semaphore, #tpu.memory_space<semaphore_mem>>) src(%dma_wait3A_66 : memref<16x128xf32, #tpu.memory_space<vmem>>) dst(%dma_wait3A_63 : memref<16x128xf32, #tpu.memory_space<vmem_shared>>)
        tpu.yield
      }) : () -> ()
    } else {
    }
    %barrier3A = arith.constant 0 : index
    tpu.barrier barrier_id(%barrier3A)
    %scan3A_27 = arith.constant 0 : i32
    %scan3A_28 = arith.constant 0 : i32
    %scan3A_29 = arith.constant 125 : i32
    %scan3A_30 = arith.addi %scan3A_28, %scan3A_29 : i32
    %scan3A_31 = arith.constant 1 : i32
    scf.for %scan3A_45 = %scan3A_28 to %scan3A_30 step %scan3A_31  : i32 {
      %mul3A_46 = arith.constant 80 : i32
      %mul3A_47 = arith.muli %scan3A_45, %mul3A_46 : i32
      %add3A_48 = arith.addi %mul3A_2, %mul3A_47 : i32
      %multiple_of3A_49 = tpu.assume_multiple %add3A_48, 80 : i32
      "tpu.region"() ({
        %run_scoped3A = tpu.sem_alloc : memref<!tpu.dma_semaphore, #tpu.memory_space<semaphore_mem>>
        %dma_start3A_54 = tpu.memref_slice %arg3[%multiple_of3A_49] : memref<320000xi32, #tpu.memory_space<hbm>> -> memref<80xi32, #tpu.memory_space<hbm>>
        %dma_start3A_55 = tpu.memref_slice %arg3[%multiple_of3A_49] : memref<320000xi32, #tpu.memory_space<hbm>> -> memref<80xi32, #tpu.memory_space<hbm>>
        tpu.enqueue_dma source(%dma_start3A_55 : memref<80xi32, #tpu.memory_space<hbm>>) target(%arg8 : memref<80xi32, #tpu.memory_space<vmem>>) target_semaphore(%run_scoped3A : memref<!tpu.dma_semaphore, #tpu.memory_space<semaphore_mem>>)
        %dma_wait3A_56 = tpu.memref_slice %arg3[%multiple_of3A_49] : memref<320000xi32, #tpu.memory_space<hbm>> -> memref<80xi32, #tpu.memory_space<hbm>>
        %dma_wait3A_57 = tpu.memref_slice %arg3[%multiple_of3A_49] : memref<320000xi32, #tpu.memory_space<hbm>> -> memref<80xi32, #tpu.memory_space<hbm>>
        tpu.wait_dma2 semaphore(%run_scoped3A : memref<!tpu.dma_semaphore, #tpu.memory_space<semaphore_mem>>) src(%dma_wait3A_57 : memref<80xi32, #tpu.memory_space<hbm>>) dst(%arg8 : memref<80xi32, #tpu.memory_space<vmem>>)
        tpu.yield
      }) : () -> ()
      %dma_start3A = arith.constant 0 : i32
      %dma_start3A_50 = arith.constant 0 : i32
      %dma_start3A_51 = tpu.memref_slice %arg2[%dma_start3A, %dma_start3A_50] : memref<10000x128xf32, #tpu.memory_space<hbm>> -> memref<10000x128xf32, #tpu.memory_space<hbm>>
      tpu.enqueue_indirect_dma source(%dma_start3A_51 : memref<10000x128xf32, #tpu.memory_space<hbm>>) target(%arg9 : memref<80x128xf32, #tpu.memory_space<vmem>>) offsets(%arg8 : memref<80xi32, #tpu.memory_space<vmem>>) semaphore(%arg13 : memref<!tpu.dma_semaphore, #tpu.memory_space<semaphore_mem>>)
      %dma_wait3A = arith.constant 0 : i32
      %dma_wait3A_52 = arith.constant 0 : i32
      %dma_wait3A_53 = tpu.memref_slice %arg2[%dma_wait3A, %dma_wait3A_52] : memref<10000x128xf32, #tpu.memory_space<hbm>> -> memref<10000x128xf32, #tpu.memory_space<hbm>>
      tpu.wait_indirect_dma semaphore(%arg13 : memref<!tpu.dma_semaphore, #tpu.memory_space<semaphore_mem>>) src(%dma_wait3A_53 : memref<10000x128xf32, #tpu.memory_space<hbm>>) dst(%arg9 : memref<80x128xf32, #tpu.memory_space<vmem>>)
      "tpu.region"() ({
        %run_scoped3A = tpu.sem_alloc : memref<!tpu.dma_semaphore, #tpu.memory_space<semaphore_mem>>
        %dma_start3A_54 = arith.constant 0 : i32
        %dma_start3A_55 = tpu.memref_slice %arg5[%multiple_of3A_49, %dma_start3A_54] : memref<320000x128xf32, #tpu.memory_space<hbm>> -> memref<80x128xf32, #tpu.memory_space<hbm>>
        %dma_start3A_56 = arith.constant 0 : i32
        %dma_start3A_57 = tpu.memref_slice %arg5[%multiple_of3A_49, %dma_start3A_56] : memref<320000x128xf32, #tpu.memory_space<hbm>> -> memref<80x128xf32, #tpu.memory_space<hbm>>
        tpu.enqueue_dma source(%arg9 : memref<80x128xf32, #tpu.memory_space<vmem>>) target(%dma_start3A_57 : memref<80x128xf32, #tpu.memory_space<hbm>>) target_semaphore(%run_scoped3A : memref<!tpu.dma_semaphore, #tpu.memory_space<semaphore_mem>>)
        %dma_wait3A_58 = arith.constant 0 : i32
        %dma_wait3A_59 = tpu.memref_slice %arg5[%multiple_of3A_49, %dma_wait3A_58] : memref<320000x128xf32, #tpu.memory_space<hbm>> -> memref<80x128xf32, #tpu.memory_space<hbm>>
        %dma_wait3A_60 = arith.constant 0 : i32
        %dma_wait3A_61 = tpu.memref_slice %arg5[%multiple_of3A_49, %dma_wait3A_60] : memref<320000x128xf32, #tpu.memory_space<hbm>> -> memref<80x128xf32, #tpu.memory_space<hbm>>
        tpu.wait_dma2 semaphore(%run_scoped3A : memref<!tpu.dma_semaphore, #tpu.memory_space<semaphore_mem>>) src(%arg9 : memref<80x128xf32, #tpu.memory_space<vmem>>) dst(%dma_wait3A_61 : memref<80x128xf32, #tpu.memory_space<hbm>>)
        tpu.yield
      }) : () -> ()
      "tpu.region"() ({
        %run_scoped3A = tpu.sem_alloc : memref<!tpu.dma_semaphore, #tpu.memory_space<semaphore_mem>>
        %dma_start3A_54 = tpu.memref_slice %arg4[%multiple_of3A_49] : memref<320000xi32, #tpu.memory_space<hbm>> -> memref<80xi32, #tpu.memory_space<hbm>>
        %dma_start3A_55 = tpu.memref_slice %arg4[%multiple_of3A_49] : memref<320000xi32, #tpu.memory_space<hbm>> -> memref<80xi32, #tpu.memory_space<hbm>>
        tpu.enqueue_dma source(%dma_start3A_55 : memref<80xi32, #tpu.memory_space<hbm>>) target(%arg10 : memref<80xi32, #tpu.memory_space<vmem>>) target_semaphore(%run_scoped3A : memref<!tpu.dma_semaphore, #tpu.memory_space<semaphore_mem>>)
        %dma_wait3A_56 = tpu.memref_slice %arg4[%multiple_of3A_49] : memref<320000xi32, #tpu.memory_space<hbm>> -> memref<80xi32, #tpu.memory_space<hbm>>
        %dma_wait3A_57 = tpu.memref_slice %arg4[%multiple_of3A_49] : memref<320000xi32, #tpu.memory_space<hbm>> -> memref<80xi32, #tpu.memory_space<hbm>>
        tpu.wait_dma2 semaphore(%run_scoped3A : memref<!tpu.dma_semaphore, #tpu.memory_space<semaphore_mem>>) src(%dma_wait3A_57 : memref<80xi32, #tpu.memory_space<hbm>>) dst(%arg10 : memref<80xi32, #tpu.memory_space<vmem>>)
        tpu.yield
      }) : () -> ()
      "tpu.region"() ({
        %run_scoped3A = tpu.sem_alloc : memref<!tpu.dma_semaphore, #tpu.memory_space<semaphore_mem>>
        %dma_start3A_54 = arith.constant 0 : i32
        %dma_start3A_55 = arith.constant 0 : i32
        %dma_start3A_56 = tpu.memref_slice %arg7[%dma_start3A_54, %dma_start3A_55] : memref<10000x128xf32, #tpu.memory_space<vmem_shared>> -> memref<10000x128xf32, #tpu.memory_space<vmem_shared>>
        tpu.enqueue_indirect_dma source(%arg11 : memref<80x128xf32, #tpu.memory_space<vmem>>) target(%dma_start3A_56 : memref<10000x128xf32, #tpu.memory_space<vmem_shared>>) offsets(%arg10 : memref<80xi32, #tpu.memory_space<vmem>>) semaphore(%run_scoped3A : memref<!tpu.dma_semaphore, #tpu.memory_space<semaphore_mem>>) {add = true}
        %dma_wait3A_57 = arith.constant 0 : i32
        %dma_wait3A_58 = arith.constant 0 : i32
        %dma_wait3A_59 = tpu.memref_slice %arg7[%dma_wait3A_57, %dma_wait3A_58] : memref<10000x128xf32, #tpu.memory_space<vmem_shared>> -> memref<10000x128xf32, #tpu.memory_space<vmem_shared>>
        tpu.wait_indirect_dma semaphore(%run_scoped3A : memref<!tpu.dma_semaphore, #tpu.memory_space<semaphore_mem>>) src(%arg11 : memref<80x128xf32, #tpu.memory_space<vmem>>) dst(%dma_wait3A_59 : memref<10000x128xf32, #tpu.memory_space<vmem_shared>>)
        tpu.yield
      }) : () -> ()
    }
    %scan3A_32 = arith.constant 125 : i32
    %barrier3A_33 = arith.constant 0 : index
    tpu.barrier barrier_id(%barrier3A_33)
    %scan3A_34 = arith.constant 0 : i32
    %scan3A_35 = arith.constant 0 : i32
    %scan3A_36 = arith.constant 13 : i32
    %scan3A_37 = arith.addi %scan3A_35, %scan3A_36 : i32
    %scan3A_38 = arith.constant 1 : i32
    scf.for %scan3A_45 = %scan3A_35 to %scan3A_37 step %scan3A_38  : i32 {
      %mul3A_46 = arith.constant 48 : i32
      %mul3A_47 = arith.muli %scan3A_45, %mul3A_46 : i32
      %add3A_48 = arith.addi %multiple_of3A, %mul3A_47 : i32
      %multiple_of3A_49 = tpu.assume_multiple %add3A_48, 8 : i32
      "tpu.region"() ({
        %run_scoped3A = tpu.sem_alloc : memref<!tpu.dma_semaphore, #tpu.memory_space<semaphore_mem>>
        %dma_start3A = arith.constant 0 : i32
        %dma_start3A_50 = tpu.memref_slice %arg7[%multiple_of3A_49, %dma_start3A] : memref<10000x128xf32, #tpu.memory_space<vmem_shared>> -> memref<48x128xf32, #tpu.memory_space<vmem_shared>>
        %dma_start3A_51 = arith.constant 0 : i32
        %dma_start3A_52 = tpu.memref_slice %arg7[%multiple_of3A_49, %dma_start3A_51] : memref<10000x128xf32, #tpu.memory_space<vmem_shared>> -> memref<48x128xf32, #tpu.memory_space<vmem_shared>>
        tpu.enqueue_dma source(%dma_start3A_52 : memref<48x128xf32, #tpu.memory_space<vmem_shared>>) target(%arg12 : memref<48x128xf32, #tpu.memory_space<vmem>>) target_semaphore(%run_scoped3A : memref<!tpu.dma_semaphore, #tpu.memory_space<semaphore_mem>>)
        %dma_wait3A = arith.constant 0 : i32
        %dma_wait3A_53 = tpu.memref_slice %arg7[%multiple_of3A_49, %dma_wait3A] : memref<10000x128xf32, #tpu.memory_space<vmem_shared>> -> memref<48x128xf32, #tpu.memory_space<vmem_shared>>
        %dma_wait3A_54 = arith.constant 0 : i32
        %dma_wait3A_55 = tpu.memref_slice %arg7[%multiple_of3A_49, %dma_wait3A_54] : memref<10000x128xf32, #tpu.memory_space<vmem_shared>> -> memref<48x128xf32, #tpu.memory_space<vmem_shared>>
        tpu.wait_dma2 semaphore(%run_scoped3A : memref<!tpu.dma_semaphore, #tpu.memory_space<semaphore_mem>>) src(%dma_wait3A_55 : memref<48x128xf32, #tpu.memory_space<vmem_shared>>) dst(%arg12 : memref<48x128xf32, #tpu.memory_space<vmem>>)
        tpu.yield
      }) : () -> ()
      "tpu.region"() ({
        %run_scoped3A = tpu.sem_alloc : memref<!tpu.dma_semaphore, #tpu.memory_space<semaphore_mem>>
        %dma_start3A = arith.constant 0 : i32
        %dma_start3A_50 = tpu.memref_slice %arg6[%arg0, %multiple_of3A_49, %dma_start3A] : memref<2x10000x128xf32, #tpu.memory_space<hbm>> -> memref<1x48x128xf32, #tpu.memory_space<hbm>>
        %dma_start3A_51 = tpu.memref_squeeze %dma_start3A_50 : memref<1x48x128xf32, #tpu.memory_space<hbm>> -> memref<48x128xf32, #tpu.memory_space<hbm>>
        %dma_start3A_52 = arith.constant 0 : i32
        %dma_start3A_53 = tpu.memref_slice %arg6[%arg0, %multiple_of3A_49, %dma_start3A_52] : memref<2x10000x128xf32, #tpu.memory_space<hbm>> -> memref<1x48x128xf32, #tpu.memory_space<hbm>>
        %dma_start3A_54 = tpu.memref_squeeze %dma_start3A_53 : memref<1x48x128xf32, #tpu.memory_space<hbm>> -> memref<48x128xf32, #tpu.memory_space<hbm>>
        tpu.enqueue_dma source(%arg12 : memref<48x128xf32, #tpu.memory_space<vmem>>) target(%dma_start3A_54 : memref<48x128xf32, #tpu.memory_space<hbm>>) target_semaphore(%run_scoped3A : memref<!tpu.dma_semaphore, #tpu.memory_space<semaphore_mem>>)
        %dma_wait3A = arith.constant 0 : i32
        %dma_wait3A_55 = tpu.memref_slice %arg6[%arg0, %multiple_of3A_49, %dma_wait3A] : memref<2x10000x128xf32, #tpu.memory_space<hbm>> -> memref<1x48x128xf32, #tpu.memory_space<hbm>>
        %dma_wait3A_56 = tpu.memref_squeeze %dma_wait3A_55 : memref<1x48x128xf32, #tpu.memory_space<hbm>> -> memref<48x128xf32, #tpu.memory_space<hbm>>
        %dma_wait3A_57 = arith.constant 0 : i32
        %dma_wait3A_58 = tpu.memref_slice %arg6[%arg0, %multiple_of3A_49, %dma_wait3A_57] : memref<2x10000x128xf32, #tpu.memory_space<hbm>> -> memref<1x48x128xf32, #tpu.memory_space<hbm>>
        %dma_wait3A_59 = tpu.memref_squeeze %dma_wait3A_58 : memref<1x48x128xf32, #tpu.memory_space<hbm>> -> memref<48x128xf32, #tpu.memory_space<hbm>>
        tpu.wait_dma2 semaphore(%run_scoped3A : memref<!tpu.dma_semaphore, #tpu.memory_space<semaphore_mem>>) src(%arg12 : memref<48x128xf32, #tpu.memory_space<vmem>>) dst(%dma_wait3A_59 : memref<48x128xf32, #tpu.memory_space<hbm>>)
        tpu.yield
      }) : () -> ()
    }
    %scan3A_39 = arith.constant 13 : i32
    %eq3A_40 = arith.constant 15 : i32
    %eq3A_41 = arith.cmpi eq, %arg1, %eq3A_40 : i32
    %convert_element_type3A_42 = arith.extui %eq3A_41 : i1 to i32
    %cond3A_43 = arith.constant 0 : i32
    %cond3A_44 = arith.cmpi ne, %convert_element_type3A_42, %cond3A_43 : i32
    scf.if %cond3A_44 {
      "tpu.region"() ({
        %run_scoped3A = tpu.sem_alloc : memref<!tpu.dma_semaphore, #tpu.memory_space<semaphore_mem>>
        %dma_start3A = arith.constant 0 : i32
        %dma_start3A_45 = arith.constant 0 : i32
        %dma_start3A_46 = tpu.memref_slice %arg12[%dma_start3A, %dma_start3A_45] : memref<48x128xf32, #tpu.memory_space<vmem>> -> memref<16x128xf32, #tpu.memory_space<vmem>>
        %dma_start3A_47 = arith.constant 9984 : i32
        %dma_start3A_48 = arith.constant 0 : i32
        %dma_start3A_49 = tpu.memref_slice %arg7[%dma_start3A_47, %dma_start3A_48] : memref<10000x128xf32, #tpu.memory_space<vmem_shared>> -> memref<16x128xf32, #tpu.memory_space<vmem_shared>>
        %dma_start3A_50 = arith.constant 0 : i32
        %dma_start3A_51 = arith.constant 0 : i32
        %dma_start3A_52 = tpu.memref_slice %arg12[%dma_start3A_50, %dma_start3A_51] : memref<48x128xf32, #tpu.memory_space<vmem>> -> memref<16x128xf32, #tpu.memory_space<vmem>>
        %dma_start3A_53 = arith.constant 9984 : i32
        %dma_start3A_54 = arith.constant 0 : i32
        %dma_start3A_55 = tpu.memref_slice %arg7[%dma_start3A_53, %dma_start3A_54] : memref<10000x128xf32, #tpu.memory_space<vmem_shared>> -> memref<16x128xf32, #tpu.memory_space<vmem_shared>>
        tpu.enqueue_dma source(%dma_start3A_55 : memref<16x128xf32, #tpu.memory_space<vmem_shared>>) target(%dma_start3A_52 : memref<16x128xf32, #tpu.memory_space<vmem>>) target_semaphore(%run_scoped3A : memref<!tpu.dma_semaphore, #tpu.memory_space<semaphore_mem>>)
        %dma_wait3A = arith.constant 0 : i32
        %dma_wait3A_56 = arith.constant 0 : i32
        %dma_wait3A_57 = tpu.memref_slice %arg12[%dma_wait3A, %dma_wait3A_56] : memref<48x128xf32, #tpu.memory_space<vmem>> -> memref<16x128xf32, #tpu.memory_space<vmem>>
        %dma_wait3A_58 = arith.constant 9984 : i32
        %dma_wait3A_59 = arith.constant 0 : i32
        %dma_wait3A_60 = tpu.memref_slice %arg7[%dma_wait3A_58, %dma_wait3A_59] : memref<10000x128xf32, #tpu.memory_space<vmem_shared>> -> memref<16x128xf32, #tpu.memory_space<vmem_shared>>
        %dma_wait3A_61 = arith.constant 0 : i32
        %dma_wait3A_62 = arith.constant 0 : i32
        %dma_wait3A_63 = tpu.memref_slice %arg12[%dma_wait3A_61, %dma_wait3A_62] : memref<48x128xf32, #tpu.memory_space<vmem>> -> memref<16x128xf32, #tpu.memory_space<vmem>>
        %dma_wait3A_64 = arith.constant 9984 : i32
        %dma_wait3A_65 = arith.constant 0 : i32
        %dma_wait3A_66 = tpu.memref_slice %arg7[%dma_wait3A_64, %dma_wait3A_65] : memref<10000x128xf32, #tpu.memory_space<vmem_shared>> -> memref<16x128xf32, #tpu.memory_space<vmem_shared>>
        tpu.wait_dma2 semaphore(%run_scoped3A : memref<!tpu.dma_semaphore, #tpu.memory_space<semaphore_mem>>) src(%dma_wait3A_66 : memref<16x128xf32, #tpu.memory_space<vmem_shared>>) dst(%dma_wait3A_63 : memref<16x128xf32, #tpu.memory_space<vmem>>)
        tpu.yield
      }) : () -> ()
      "tpu.region"() ({
        %run_scoped3A = tpu.sem_alloc : memref<!tpu.dma_semaphore, #tpu.memory_space<semaphore_mem>>
        %dma_start3A = arith.constant 0 : i32
        %dma_start3A_45 = arith.constant 0 : i32
        %dma_start3A_46 = tpu.memref_slice %arg12[%dma_start3A, %dma_start3A_45] : memref<48x128xf32, #tpu.memory_space<vmem>> -> memref<16x128xf32, #tpu.memory_space<vmem>>
        %dma_start3A_47 = arith.constant 9984 : i32
        %dma_start3A_48 = arith.constant 0 : i32
        %dma_start3A_49 = tpu.memref_slice %arg6[%arg0, %dma_start3A_47, %dma_start3A_48] : memref<2x10000x128xf32, #tpu.memory_space<hbm>> -> memref<1x16x128xf32, #tpu.memory_space<hbm>>
        %dma_start3A_50 = tpu.memref_squeeze %dma_start3A_49 : memref<1x16x128xf32, #tpu.memory_space<hbm>> -> memref<16x128xf32, #tpu.memory_space<hbm>>
        %dma_start3A_51 = arith.constant 9984 : i32
        %dma_start3A_52 = arith.constant 0 : i32
        %dma_start3A_53 = tpu.memref_slice %arg6[%arg0, %dma_start3A_51, %dma_start3A_52] : memref<2x10000x128xf32, #tpu.memory_space<hbm>> -> memref<1x16x128xf32, #tpu.memory_space<hbm>>
        %dma_start3A_54 = tpu.memref_squeeze %dma_start3A_53 : memref<1x16x128xf32, #tpu.memory_space<hbm>> -> memref<16x128xf32, #tpu.memory_space<hbm>>
        %dma_start3A_55 = arith.constant 0 : i32
        %dma_start3A_56 = arith.constant 0 : i32
        %dma_start3A_57 = tpu.memref_slice %arg12[%dma_start3A_55, %dma_start3A_56] : memref<48x128xf32, #tpu.memory_space<vmem>> -> memref<16x128xf32, #tpu.memory_space<vmem>>
        tpu.enqueue_dma source(%dma_start3A_57 : memref<16x128xf32, #tpu.memory_space<vmem>>) target(%dma_start3A_54 : memref<16x128xf32, #tpu.memory_space<hbm>>) target_semaphore(%run_scoped3A : memref<!tpu.dma_semaphore, #tpu.memory_space<semaphore_mem>>)
        %dma_wait3A = arith.constant 0 : i32
        %dma_wait3A_58 = arith.constant 0 : i32
        %dma_wait3A_59 = tpu.memref_slice %arg12[%dma_wait3A, %dma_wait3A_58] : memref<48x128xf32, #tpu.memory_space<vmem>> -> memref<16x128xf32, #tpu.memory_space<vmem>>
        %dma_wait3A_60 = arith.constant 9984 : i32
        %dma_wait3A_61 = arith.constant 0 : i32
        %dma_wait3A_62 = tpu.memref_slice %arg6[%arg0, %dma_wait3A_60, %dma_wait3A_61] : memref<2x10000x128xf32, #tpu.memory_space<hbm>> -> memref<1x16x128xf32, #tpu.memory_space<hbm>>
        %dma_wait3A_63 = tpu.memref_squeeze %dma_wait3A_62 : memref<1x16x128xf32, #tpu.memory_space<hbm>> -> memref<16x128xf32, #tpu.memory_space<hbm>>
        %dma_wait3A_64 = arith.constant 9984 : i32
        %dma_wait3A_65 = arith.constant 0 : i32
        %dma_wait3A_66 = tpu.memref_slice %arg6[%arg0, %dma_wait3A_64, %dma_wait3A_65] : memref<2x10000x128xf32, #tpu.memory_space<hbm>> -> memref<1x16x128xf32, #tpu.memory_space<hbm>>
        %dma_wait3A_67 = tpu.memref_squeeze %dma_wait3A_66 : memref<1x16x128xf32, #tpu.memory_space<hbm>> -> memref<16x128xf32, #tpu.memory_space<hbm>>
        %dma_wait3A_68 = arith.constant 0 : i32
        %dma_wait3A_69 = arith.constant 0 : i32
        %dma_wait3A_70 = tpu.memref_slice %arg12[%dma_wait3A_68, %dma_wait3A_69] : memref<48x128xf32, #tpu.memory_space<vmem>> -> memref<16x128xf32, #tpu.memory_space<vmem>>
        tpu.wait_dma2 semaphore(%run_scoped3A : memref<!tpu.dma_semaphore, #tpu.memory_space<semaphore_mem>>) src(%dma_wait3A_70 : memref<16x128xf32, #tpu.memory_space<vmem>>) dst(%dma_wait3A_67 : memref<16x128xf32, #tpu.memory_space<hbm>>)
        tpu.yield
      }) : () -> ()
    } else {
    }
    return
  }
}

#map = affine_map<(d0, d1) -> (0, 0)>
#map1 = affine_map<(d0, d1) -> (0)>
#map2 = affine_map<(d0, d1) -> (0, 0, 0)>
module attributes {stable_mosaic.version = 14 : i64} {
  func.func @_scatter_body(%arg0: i32, %arg1: i32, %arg2: memref<320000x128xf32, #tpu.memory_space<hbm>>, %arg3: memref<320000xi32, #tpu.memory_space<hbm>>, %arg4: memref<2x10000x128xf32, #tpu.memory_space<hbm>>, %arg5: memref<10000x128xf32, #tpu.memory_space<vmem_shared>>, %arg6: memref<80xi32, #tpu.memory_space<vmem>>, %arg7: memref<80x128xf32, #tpu.memory_space<vmem>>, %arg8: memref<48x128xf32, #tpu.memory_space<vmem>>) attributes {dimension_semantics = [#tpu.dimension_semantics<core_parallel>, #tpu.dimension_semantics<subcore_parallel>], iteration_bounds = array<i64: 2, 16>, scalar_prefetch = 0 : i64, scratch_operands = 4 : i64, tpu.core_type = #tpu.core_type<sc_vector_subcore>, window_params = [{transform_indices = #map}, {transform_indices = #map1}, {transform_indices = #map2}]} {
    %mul3A = arith.constant 2 : i32
    %mul3A_0 = arith.muli %arg1, %mul3A : i32
    %add3A = arith.addi %mul3A_0, %arg0 : i32
    %mul3A_1 = arith.constant 624 : i32
    %mul3A_2 = arith.muli %arg1, %mul3A_1 : i32
    %multiple_of3A = tpu.assume_multiple %mul3A_2, 8 : i32
    %broadcast_in_dim3A = arith.constant 0.000000e+00 : f32
    %broadcast_in_dim3A_3 = vector.broadcast %broadcast_in_dim3A : f32 to vector<16xf32>
    %scan3A = arith.constant 0 : i32
    %scan3A_4 = arith.constant 0 : i32
    %scan3A_5 = arith.constant 384 : i32
    %scan3A_6 = arith.addi %scan3A_4, %scan3A_5 : i32
    %scan3A_7 = arith.constant 1 : i32
    scf.for %scan3A_35 = %scan3A_4 to %scan3A_6 step %scan3A_7  : i32 {
      %jit3A = arith.constant 8 : i32
      %div3A = arith.divsi %scan3A_35, %jit3A : i32
      %sign3A = arith.constant 0 : i32
      %sign3A_36 = arith.cmpi sgt, %scan3A_35, %sign3A : i32
      %sign3A_37 = arith.extui %sign3A_36 : i1 to i32
      %sign3A_38 = arith.constant 0 : i32
      %sign3A_39 = arith.cmpi slt, %scan3A_35, %sign3A_38 : i32
      %sign3A_40 = arith.extui %sign3A_39 : i1 to i32
      %sign3A_41 = arith.subi %sign3A_37, %sign3A_40 : i32
      %sign3A_42 = arith.constant 0 : i32
      %sign3A_43 = arith.cmpi sgt, %jit3A, %sign3A_42 : i32
      %sign3A_44 = arith.extui %sign3A_43 : i1 to i32
      %sign3A_45 = arith.constant 0 : i32
      %sign3A_46 = arith.cmpi slt, %jit3A, %sign3A_45 : i32
      %sign3A_47 = arith.extui %sign3A_46 : i1 to i32
      %sign3A_48 = arith.subi %sign3A_44, %sign3A_47 : i32
      %ne3A = arith.cmpi ne, %sign3A_41, %sign3A_48 : i32
      %rem3A = arith.remsi %scan3A_35, %jit3A : i32
      %ne3A_49 = arith.constant 0 : i32
      %ne3A_50 = arith.cmpi ne, %rem3A, %ne3A_49 : i32
      %and3A = arith.andi %ne3A, %ne3A_50 : i1
      %sub3A = arith.constant 1 : i32
      %sub3A_51 = arith.subi %div3A, %sub3A : i32
      %select_n3A = arith.select %and3A, %sub3A_51, %div3A : i32
      %jit3A_52 = arith.constant 8 : i32
      %eq3A_53 = arith.constant 0 : i32
      %eq3A_54 = arith.cmpi eq, %jit3A_52, %eq3A_53 : i32
      %jit3A_55 = arith.constant 1 : i32
      %select_n3A_56 = arith.select %eq3A_54, %jit3A_55, %jit3A_52 : i32
      %rem3A_57 = arith.remsi %scan3A_35, %select_n3A_56 : i32
      %ne3A_58 = arith.constant 0 : i32
      %ne3A_59 = arith.cmpi ne, %rem3A_57, %ne3A_58 : i32
      %lt3A = arith.constant 0 : i32
      %lt3A_60 = arith.cmpi slt, %rem3A_57, %lt3A : i32
      %lt3A_61 = arith.constant 0 : i32
      %lt3A_62 = arith.cmpi slt, %select_n3A_56, %lt3A_61 : i32
      %ne3A_63 = arith.xori %lt3A_60, %lt3A_62 : i1
      %and3A_64 = arith.andi %ne3A_63, %ne3A_59 : i1
      %add3A_65 = arith.addi %rem3A_57, %select_n3A_56 : i32
      %select_n3A_66 = arith.select %and3A_64, %add3A_65, %rem3A_57 : i32
      %mul3A_67 = arith.constant 16 : i32
      %mul3A_68 = arith.muli %select_n3A_66, %mul3A_67 : i32
      %swap3A = arith.index_cast %select_n3A : i32 to index
      %swap3A_69 = arith.index_cast %mul3A_68 : i32 to index
      %swap3A_70 = tpu.vector_load %arg8[%swap3A, %swap3A_69] {strides = array<i32>} : memref<48x128xf32, #tpu.memory_space<vmem>>, vector<1x16xf32>,
      %swap3A_71 = vector.shape_cast %swap3A_70 : vector<1x16xf32> to vector<16xf32>
      %swap3A_72 = vector.shape_cast %broadcast_in_dim3A_3 : vector<16xf32> to vector<1x16xf32>
      tpu.vector_store %arg8[%swap3A, %swap3A_69], %swap3A_72 {strides = array<i32>} : memref<48x128xf32, #tpu.memory_space<vmem>>, vector<1x16xf32>,
    }
    %scan3A_8 = arith.constant 384 : i32
    %scan3A_9 = arith.constant 0 : i32
    %scan3A_10 = arith.constant 0 : i32
    %scan3A_11 = arith.constant 13 : i32
    %scan3A_12 = arith.addi %scan3A_10, %scan3A_11 : i32
    %scan3A_13 = arith.constant 1 : i32
    scf.for %scan3A_35 = %scan3A_10 to %scan3A_12 step %scan3A_13  : i32 {
      %mul3A_36 = arith.constant 48 : i32
      %mul3A_37 = arith.muli %scan3A_35, %mul3A_36 : i32
      %add3A_38 = arith.addi %multiple_of3A, %mul3A_37 : i32
      %multiple_of3A_39 = tpu.assume_multiple %add3A_38, 8 : i32
      "tpu.region"() ({
        %run_scoped3A = tpu.sem_alloc : memref<!tpu.dma_semaphore, #tpu.memory_space<semaphore_mem>>
        %dma_start3A = arith.constant 0 : i32
        %dma_start3A_40 = tpu.memref_slice %arg5[%multiple_of3A_39, %dma_start3A] : memref<10000x128xf32, #tpu.memory_space<vmem_shared>> -> memref<48x128xf32, #tpu.memory_space<vmem_shared>>
        %dma_start3A_41 = arith.constant 0 : i32
        %dma_start3A_42 = tpu.memref_slice %arg5[%multiple_of3A_39, %dma_start3A_41] : memref<10000x128xf32, #tpu.memory_space<vmem_shared>> -> memref<48x128xf32, #tpu.memory_space<vmem_shared>>
        tpu.enqueue_dma source(%arg8 : memref<48x128xf32, #tpu.memory_space<vmem>>) target(%dma_start3A_42 : memref<48x128xf32, #tpu.memory_space<vmem_shared>>) target_semaphore(%run_scoped3A : memref<!tpu.dma_semaphore, #tpu.memory_space<semaphore_mem>>)
        %dma_wait3A = arith.constant 0 : i32
        %dma_wait3A_43 = tpu.memref_slice %arg5[%multiple_of3A_39, %dma_wait3A] : memref<10000x128xf32, #tpu.memory_space<vmem_shared>> -> memref<48x128xf32, #tpu.memory_space<vmem_shared>>
        %dma_wait3A_44 = arith.constant 0 : i32
        %dma_wait3A_45 = tpu.memref_slice %arg5[%multiple_of3A_39, %dma_wait3A_44] : memref<10000x128xf32, #tpu.memory_space<vmem_shared>> -> memref<48x128xf32, #tpu.memory_space<vmem_shared>>
        tpu.wait_dma2 semaphore(%run_scoped3A : memref<!tpu.dma_semaphore, #tpu.memory_space<semaphore_mem>>) src(%arg8 : memref<48x128xf32, #tpu.memory_space<vmem>>) dst(%dma_wait3A_45 : memref<48x128xf32, #tpu.memory_space<vmem_shared>>)
        tpu.yield
      }) : () -> ()
    }
    %scan3A_14 = arith.constant 13 : i32
    %eq3A = arith.constant 15 : i32
    %eq3A_15 = arith.cmpi eq, %arg1, %eq3A : i32
    %convert_element_type3A = arith.extui %eq3A_15 : i1 to i32
    %cond3A = arith.constant 0 : i32
    %cond3A_16 = arith.cmpi ne, %convert_element_type3A, %cond3A : i32
    scf.if %cond3A_16 {
      "tpu.region"() ({
        %run_scoped3A = tpu.sem_alloc : memref<!tpu.dma_semaphore, #tpu.memory_space<semaphore_mem>>
        %dma_start3A = arith.constant 0 : i32
        %dma_start3A_35 = arith.constant 0 : i32
        %dma_start3A_36 = tpu.memref_slice %arg8[%dma_start3A, %dma_start3A_35] : memref<48x128xf32, #tpu.memory_space<vmem>> -> memref<16x128xf32, #tpu.memory_space<vmem>>
        %dma_start3A_37 = arith.constant 9984 : i32
        %dma_start3A_38 = arith.constant 0 : i32
        %dma_start3A_39 = tpu.memref_slice %arg5[%dma_start3A_37, %dma_start3A_38] : memref<10000x128xf32, #tpu.memory_space<vmem_shared>> -> memref<16x128xf32, #tpu.memory_space<vmem_shared>>
        %dma_start3A_40 = arith.constant 9984 : i32
        %dma_start3A_41 = arith.constant 0 : i32
        %dma_start3A_42 = tpu.memref_slice %arg5[%dma_start3A_40, %dma_start3A_41] : memref<10000x128xf32, #tpu.memory_space<vmem_shared>> -> memref<16x128xf32, #tpu.memory_space<vmem_shared>>
        %dma_start3A_43 = arith.constant 0 : i32
        %dma_start3A_44 = arith.constant 0 : i32
        %dma_start3A_45 = tpu.memref_slice %arg8[%dma_start3A_43, %dma_start3A_44] : memref<48x128xf32, #tpu.memory_space<vmem>> -> memref<16x128xf32, #tpu.memory_space<vmem>>
        tpu.enqueue_dma source(%dma_start3A_45 : memref<16x128xf32, #tpu.memory_space<vmem>>) target(%dma_start3A_42 : memref<16x128xf32, #tpu.memory_space<vmem_shared>>) target_semaphore(%run_scoped3A : memref<!tpu.dma_semaphore, #tpu.memory_space<semaphore_mem>>)
        %dma_wait3A = arith.constant 0 : i32
        %dma_wait3A_46 = arith.constant 0 : i32
        %dma_wait3A_47 = tpu.memref_slice %arg8[%dma_wait3A, %dma_wait3A_46] : memref<48x128xf32, #tpu.memory_space<vmem>> -> memref<16x128xf32, #tpu.memory_space<vmem>>
        %dma_wait3A_48 = arith.constant 9984 : i32
        %dma_wait3A_49 = arith.constant 0 : i32
        %dma_wait3A_50 = tpu.memref_slice %arg5[%dma_wait3A_48, %dma_wait3A_49] : memref<10000x128xf32, #tpu.memory_space<vmem_shared>> -> memref<16x128xf32, #tpu.memory_space<vmem_shared>>
        %dma_wait3A_51 = arith.constant 9984 : i32
        %dma_wait3A_52 = arith.constant 0 : i32
        %dma_wait3A_53 = tpu.memref_slice %arg5[%dma_wait3A_51, %dma_wait3A_52] : memref<10000x128xf32, #tpu.memory_space<vmem_shared>> -> memref<16x128xf32, #tpu.memory_space<vmem_shared>>
        %dma_wait3A_54 = arith.constant 0 : i32
        %dma_wait3A_55 = arith.constant 0 : i32
        %dma_wait3A_56 = tpu.memref_slice %arg8[%dma_wait3A_54, %dma_wait3A_55] : memref<48x128xf32, #tpu.memory_space<vmem>> -> memref<16x128xf32, #tpu.memory_space<vmem>>
        tpu.wait_dma2 semaphore(%run_scoped3A : memref<!tpu.dma_semaphore, #tpu.memory_space<semaphore_mem>>) src(%dma_wait3A_56 : memref<16x128xf32, #tpu.memory_space<vmem>>) dst(%dma_wait3A_53 : memref<16x128xf32, #tpu.memory_space<vmem_shared>>)
        tpu.yield
      }) : () -> ()
    } else {
    }
    %barrier3A = arith.constant 0 : index
    tpu.barrier barrier_id(%barrier3A)
    %scan3A_17 = arith.constant 0 : i32
    %scan3A_18 = arith.constant 0 : i32
    %scan3A_19 = arith.constant 125 : i32
    %scan3A_20 = arith.addi %scan3A_18, %scan3A_19 : i32
    %scan3A_21 = arith.constant 1 : i32
    scf.for %scan3A_35 = %scan3A_18 to %scan3A_20 step %scan3A_21  : i32 {
      %mul3A_36 = arith.constant 10000 : i32
      %mul3A_37 = arith.muli %add3A, %mul3A_36 : i32
      %mul3A_38 = arith.constant 80 : i32
      %mul3A_39 = arith.muli %scan3A_35, %mul3A_38 : i32
      %add3A_40 = arith.addi %mul3A_37, %mul3A_39 : i32
      %multiple_of3A_41 = tpu.assume_multiple %add3A_40, 80 : i32
      "tpu.region"() ({
        %run_scoped3A = tpu.sem_alloc : memref<!tpu.dma_semaphore, #tpu.memory_space<semaphore_mem>>
        %dma_start3A = tpu.memref_slice %arg3[%multiple_of3A_41] : memref<320000xi32, #tpu.memory_space<hbm>> -> memref<80xi32, #tpu.memory_space<hbm>>
        %dma_start3A_42 = tpu.memref_slice %arg3[%multiple_of3A_41] : memref<320000xi32, #tpu.memory_space<hbm>> -> memref<80xi32, #tpu.memory_space<hbm>>
        tpu.enqueue_dma source(%dma_start3A_42 : memref<80xi32, #tpu.memory_space<hbm>>) target(%arg6 : memref<80xi32, #tpu.memory_space<vmem>>) target_semaphore(%run_scoped3A : memref<!tpu.dma_semaphore, #tpu.memory_space<semaphore_mem>>)
        %dma_wait3A = tpu.memref_slice %arg3[%multiple_of3A_41] : memref<320000xi32, #tpu.memory_space<hbm>> -> memref<80xi32, #tpu.memory_space<hbm>>
        %dma_wait3A_43 = tpu.memref_slice %arg3[%multiple_of3A_41] : memref<320000xi32, #tpu.memory_space<hbm>> -> memref<80xi32, #tpu.memory_space<hbm>>
        tpu.wait_dma2 semaphore(%run_scoped3A : memref<!tpu.dma_semaphore, #tpu.memory_space<semaphore_mem>>) src(%dma_wait3A_43 : memref<80xi32, #tpu.memory_space<hbm>>) dst(%arg6 : memref<80xi32, #tpu.memory_space<vmem>>)
        tpu.yield
      }) : () -> ()
      "tpu.region"() ({
        %run_scoped3A = tpu.sem_alloc : memref<!tpu.dma_semaphore, #tpu.memory_space<semaphore_mem>>
        %dma_start3A = arith.constant 0 : i32
        %dma_start3A_42 = tpu.memref_slice %arg2[%multiple_of3A_41, %dma_start3A] : memref<320000x128xf32, #tpu.memory_space<hbm>> -> memref<80x128xf32, #tpu.memory_space<hbm>>
        %dma_start3A_43 = arith.constant 0 : i32
        %dma_start3A_44 = tpu.memref_slice %arg2[%multiple_of3A_41, %dma_start3A_43] : memref<320000x128xf32, #tpu.memory_space<hbm>> -> memref<80x128xf32, #tpu.memory_space<hbm>>
        tpu.enqueue_dma source(%dma_start3A_44 : memref<80x128xf32, #tpu.memory_space<hbm>>) target(%arg7 : memref<80x128xf32, #tpu.memory_space<vmem>>) target_semaphore(%run_scoped3A : memref<!tpu.dma_semaphore, #tpu.memory_space<semaphore_mem>>)
        %dma_wait3A = arith.constant 0 : i32
        %dma_wait3A_45 = tpu.memref_slice %arg2[%multiple_of3A_41, %dma_wait3A] : memref<320000x128xf32, #tpu.memory_space<hbm>> -> memref<80x128xf32, #tpu.memory_space<hbm>>
        %dma_wait3A_46 = arith.constant 0 : i32
        %dma_wait3A_47 = tpu.memref_slice %arg2[%multiple_of3A_41, %dma_wait3A_46] : memref<320000x128xf32, #tpu.memory_space<hbm>> -> memref<80x128xf32, #tpu.memory_space<hbm>>
        tpu.wait_dma2 semaphore(%run_scoped3A : memref<!tpu.dma_semaphore, #tpu.memory_space<semaphore_mem>>) src(%dma_wait3A_47 : memref<80x128xf32, #tpu.memory_space<hbm>>) dst(%arg7 : memref<80x128xf32, #tpu.memory_space<vmem>>)
        tpu.yield
      }) : () -> ()
      "tpu.region"() ({
        %run_scoped3A = tpu.sem_alloc : memref<!tpu.dma_semaphore, #tpu.memory_space<semaphore_mem>>
        %dma_start3A = arith.constant 0 : i32
        %dma_start3A_42 = arith.constant 0 : i32
        %dma_start3A_43 = tpu.memref_slice %arg5[%dma_start3A, %dma_start3A_42] : memref<10000x128xf32, #tpu.memory_space<vmem_shared>> -> memref<10000x128xf32, #tpu.memory_space<vmem_shared>>
        tpu.enqueue_indirect_dma source(%arg7 : memref<80x128xf32, #tpu.memory_space<vmem>>) target(%dma_start3A_43 : memref<10000x128xf32, #tpu.memory_space<vmem_shared>>) offsets(%arg6 : memref<80xi32, #tpu.memory_space<vmem>>) semaphore(%run_scoped3A : memref<!tpu.dma_semaphore, #tpu.memory_space<semaphore_mem>>) {add = true}
        %dma_wait3A = arith.constant 0 : i32
        %dma_wait3A_44 = arith.constant 0 : i32
        %dma_wait3A_45 = tpu.memref_slice %arg5[%dma_wait3A, %dma_wait3A_44] : memref<10000x128xf32, #tpu.memory_space<vmem_shared>> -> memref<10000x128xf32, #tpu.memory_space<vmem_shared>>
        tpu.wait_indirect_dma semaphore(%run_scoped3A : memref<!tpu.dma_semaphore, #tpu.memory_space<semaphore_mem>>) src(%arg7 : memref<80x128xf32, #tpu.memory_space<vmem>>) dst(%dma_wait3A_45 : memref<10000x128xf32, #tpu.memory_space<vmem_shared>>)
        tpu.yield
      }) : () -> ()
    }
    %scan3A_22 = arith.constant 125 : i32
    %barrier3A_23 = arith.constant 0 : index
    tpu.barrier barrier_id(%barrier3A_23)
    %scan3A_24 = arith.constant 0 : i32
    %scan3A_25 = arith.constant 0 : i32
    %scan3A_26 = arith.constant 13 : i32
    %scan3A_27 = arith.addi %scan3A_25, %scan3A_26 : i32
    %scan3A_28 = arith.constant 1 : i32
    scf.for %scan3A_35 = %scan3A_25 to %scan3A_27 step %scan3A_28  : i32 {
      %mul3A_36 = arith.constant 48 : i32
      %mul3A_37 = arith.muli %scan3A_35, %mul3A_36 : i32
      %add3A_38 = arith.addi %multiple_of3A, %mul3A_37 : i32
      %multiple_of3A_39 = tpu.assume_multiple %add3A_38, 8 : i32
      "tpu.region"() ({
        %run_scoped3A = tpu.sem_alloc : memref<!tpu.dma_semaphore, #tpu.memory_space<semaphore_mem>>
        %dma_start3A = arith.constant 0 : i32
        %dma_start3A_40 = tpu.memref_slice %arg5[%multiple_of3A_39, %dma_start3A] : memref<10000x128xf32, #tpu.memory_space<vmem_shared>> -> memref<48x128xf32, #tpu.memory_space<vmem_shared>>
        %dma_start3A_41 = arith.constant 0 : i32
        %dma_start3A_42 = tpu.memref_slice %arg5[%multiple_of3A_39, %dma_start3A_41] : memref<10000x128xf32, #tpu.memory_space<vmem_shared>> -> memref<48x128xf32, #tpu.memory_space<vmem_shared>>
        tpu.enqueue_dma source(%dma_start3A_42 : memref<48x128xf32, #tpu.memory_space<vmem_shared>>) target(%arg8 : memref<48x128xf32, #tpu.memory_space<vmem>>) target_semaphore(%run_scoped3A : memref<!tpu.dma_semaphore, #tpu.memory_space<semaphore_mem>>)
        %dma_wait3A = arith.constant 0 : i32
        %dma_wait3A_43 = tpu.memref_slice %arg5[%multiple_of3A_39, %dma_wait3A] : memref<10000x128xf32, #tpu.memory_space<vmem_shared>> -> memref<48x128xf32, #tpu.memory_space<vmem_shared>>
        %dma_wait3A_44 = arith.constant 0 : i32
        %dma_wait3A_45 = tpu.memref_slice %arg5[%multiple_of3A_39, %dma_wait3A_44] : memref<10000x128xf32, #tpu.memory_space<vmem_shared>> -> memref<48x128xf32, #tpu.memory_space<vmem_shared>>
        tpu.wait_dma2 semaphore(%run_scoped3A : memref<!tpu.dma_semaphore, #tpu.memory_space<semaphore_mem>>) src(%dma_wait3A_45 : memref<48x128xf32, #tpu.memory_space<vmem_shared>>) dst(%arg8 : memref<48x128xf32, #tpu.memory_space<vmem>>)
        tpu.yield
      }) : () -> ()
      "tpu.region"() ({
        %run_scoped3A = tpu.sem_alloc : memref<!tpu.dma_semaphore, #tpu.memory_space<semaphore_mem>>
        %dma_start3A = arith.constant 0 : i32
        %dma_start3A_40 = tpu.memref_slice %arg4[%arg0, %multiple_of3A_39, %dma_start3A] : memref<2x10000x128xf32, #tpu.memory_space<hbm>> -> memref<1x48x128xf32, #tpu.memory_space<hbm>>
        %dma_start3A_41 = tpu.memref_squeeze %dma_start3A_40 : memref<1x48x128xf32, #tpu.memory_space<hbm>> -> memref<48x128xf32, #tpu.memory_space<hbm>>
        %dma_start3A_42 = arith.constant 0 : i32
        %dma_start3A_43 = tpu.memref_slice %arg4[%arg0, %multiple_of3A_39, %dma_start3A_42] : memref<2x10000x128xf32, #tpu.memory_space<hbm>> -> memref<1x48x128xf32, #tpu.memory_space<hbm>>
        %dma_start3A_44 = tpu.memref_squeeze %dma_start3A_43 : memref<1x48x128xf32, #tpu.memory_space<hbm>> -> memref<48x128xf32, #tpu.memory_space<hbm>>
        tpu.enqueue_dma source(%arg8 : memref<48x128xf32, #tpu.memory_space<vmem>>) target(%dma_start3A_44 : memref<48x128xf32, #tpu.memory_space<hbm>>) target_semaphore(%run_scoped3A : memref<!tpu.dma_semaphore, #tpu.memory_space<semaphore_mem>>)
        %dma_wait3A = arith.constant 0 : i32
        %dma_wait3A_45 = tpu.memref_slice %arg4[%arg0, %multiple_of3A_39, %dma_wait3A] : memref<2x10000x128xf32, #tpu.memory_space<hbm>> -> memref<1x48x128xf32, #tpu.memory_space<hbm>>
        %dma_wait3A_46 = tpu.memref_squeeze %dma_wait3A_45 : memref<1x48x128xf32, #tpu.memory_space<hbm>> -> memref<48x128xf32, #tpu.memory_space<hbm>>
        %dma_wait3A_47 = arith.constant 0 : i32
        %dma_wait3A_48 = tpu.memref_slice %arg4[%arg0, %multiple_of3A_39, %dma_wait3A_47] : memref<2x10000x128xf32, #tpu.memory_space<hbm>> -> memref<1x48x128xf32, #tpu.memory_space<hbm>>
        %dma_wait3A_49 = tpu.memref_squeeze %dma_wait3A_48 : memref<1x48x128xf32, #tpu.memory_space<hbm>> -> memref<48x128xf32, #tpu.memory_space<hbm>>
        tpu.wait_dma2 semaphore(%run_scoped3A : memref<!tpu.dma_semaphore, #tpu.memory_space<semaphore_mem>>) src(%arg8 : memref<48x128xf32, #tpu.memory_space<vmem>>) dst(%dma_wait3A_49 : memref<48x128xf32, #tpu.memory_space<hbm>>)
        tpu.yield
      }) : () -> ()
    }
    %scan3A_29 = arith.constant 13 : i32
    %eq3A_30 = arith.constant 15 : i32
    %eq3A_31 = arith.cmpi eq, %arg1, %eq3A_30 : i32
    %convert_element_type3A_32 = arith.extui %eq3A_31 : i1 to i32
    %cond3A_33 = arith.constant 0 : i32
    %cond3A_34 = arith.cmpi ne, %convert_element_type3A_32, %cond3A_33 : i32
    scf.if %cond3A_34 {
      "tpu.region"() ({
        %run_scoped3A = tpu.sem_alloc : memref<!tpu.dma_semaphore, #tpu.memory_space<semaphore_mem>>
        %dma_start3A = arith.constant 0 : i32
        %dma_start3A_35 = arith.constant 0 : i32
        %dma_start3A_36 = tpu.memref_slice %arg8[%dma_start3A, %dma_start3A_35] : memref<48x128xf32, #tpu.memory_space<vmem>> -> memref<16x128xf32, #tpu.memory_space<vmem>>
        %dma_start3A_37 = arith.constant 9984 : i32
        %dma_start3A_38 = arith.constant 0 : i32
        %dma_start3A_39 = tpu.memref_slice %arg5[%dma_start3A_37, %dma_start3A_38] : memref<10000x128xf32, #tpu.memory_space<vmem_shared>> -> memref<16x128xf32, #tpu.memory_space<vmem_shared>>
        %dma_start3A_40 = arith.constant 0 : i32
        %dma_start3A_41 = arith.constant 0 : i32
        %dma_start3A_42 = tpu.memref_slice %arg8[%dma_start3A_40, %dma_start3A_41] : memref<48x128xf32, #tpu.memory_space<vmem>> -> memref<16x128xf32, #tpu.memory_space<vmem>>
        %dma_start3A_43 = arith.constant 9984 : i32
        %dma_start3A_44 = arith.constant 0 : i32
        %dma_start3A_45 = tpu.memref_slice %arg5[%dma_start3A_43, %dma_start3A_44] : memref<10000x128xf32, #tpu.memory_space<vmem_shared>> -> memref<16x128xf32, #tpu.memory_space<vmem_shared>>
        tpu.enqueue_dma source(%dma_start3A_45 : memref<16x128xf32, #tpu.memory_space<vmem_shared>>) target(%dma_start3A_42 : memref<16x128xf32, #tpu.memory_space<vmem>>) target_semaphore(%run_scoped3A : memref<!tpu.dma_semaphore, #tpu.memory_space<semaphore_mem>>)
        %dma_wait3A = arith.constant 0 : i32
        %dma_wait3A_46 = arith.constant 0 : i32
        %dma_wait3A_47 = tpu.memref_slice %arg8[%dma_wait3A, %dma_wait3A_46] : memref<48x128xf32, #tpu.memory_space<vmem>> -> memref<16x128xf32, #tpu.memory_space<vmem>>
        %dma_wait3A_48 = arith.constant 9984 : i32
        %dma_wait3A_49 = arith.constant 0 : i32
        %dma_wait3A_50 = tpu.memref_slice %arg5[%dma_wait3A_48, %dma_wait3A_49] : memref<10000x128xf32, #tpu.memory_space<vmem_shared>> -> memref<16x128xf32, #tpu.memory_space<vmem_shared>>
        %dma_wait3A_51 = arith.constant 0 : i32
        %dma_wait3A_52 = arith.constant 0 : i32
        %dma_wait3A_53 = tpu.memref_slice %arg8[%dma_wait3A_51, %dma_wait3A_52] : memref<48x128xf32, #tpu.memory_space<vmem>> -> memref<16x128xf32, #tpu.memory_space<vmem>>
        %dma_wait3A_54 = arith.constant 9984 : i32
        %dma_wait3A_55 = arith.constant 0 : i32
        %dma_wait3A_56 = tpu.memref_slice %arg5[%dma_wait3A_54, %dma_wait3A_55] : memref<10000x128xf32, #tpu.memory_space<vmem_shared>> -> memref<16x128xf32, #tpu.memory_space<vmem_shared>>
        tpu.wait_dma2 semaphore(%run_scoped3A : memref<!tpu.dma_semaphore, #tpu.memory_space<semaphore_mem>>) src(%dma_wait3A_56 : memref<16x128xf32, #tpu.memory_space<vmem_shared>>) dst(%dma_wait3A_53 : memref<16x128xf32, #tpu.memory_space<vmem>>)
        tpu.yield
      }) : () -> ()
      "tpu.region"() ({
        %run_scoped3A = tpu.sem_alloc : memref<!tpu.dma_semaphore, #tpu.memory_space<semaphore_mem>>
        %dma_start3A = arith.constant 0 : i32
        %dma_start3A_35 = arith.constant 0 : i32
        %dma_start3A_36 = tpu.memref_slice %arg8[%dma_start3A, %dma_start3A_35] : memref<48x128xf32, #tpu.memory_space<vmem>> -> memref<16x128xf32, #tpu.memory_space<vmem>>
        %dma_start3A_37 = arith.constant 9984 : i32
        %dma_start3A_38 = arith.constant 0 : i32
        %dma_start3A_39 = tpu.memref_slice %arg4[%arg0, %dma_start3A_37, %dma_start3A_38] : memref<2x10000x128xf32, #tpu.memory_space<hbm>> -> memref<1x16x128xf32, #tpu.memory_space<hbm>>
        %dma_start3A_40 = tpu.memref_squeeze %dma_start3A_39 : memref<1x16x128xf32, #tpu.memory_space<hbm>> -> memref<16x128xf32, #tpu.memory_space<hbm>>
        %dma_start3A_41 = arith.constant 9984 : i32
        %dma_start3A_42 = arith.constant 0 : i32
        %dma_start3A_43 = tpu.memref_slice %arg4[%arg0, %dma_start3A_41, %dma_start3A_42] : memref<2x10000x128xf32, #tpu.memory_space<hbm>> -> memref<1x16x128xf32, #tpu.memory_space<hbm>>
        %dma_start3A_44 = tpu.memref_squeeze %dma_start3A_43 : memref<1x16x128xf32, #tpu.memory_space<hbm>> -> memref<16x128xf32, #tpu.memory_space<hbm>>
        %dma_start3A_45 = arith.constant 0 : i32
        %dma_start3A_46 = arith.constant 0 : i32
        %dma_start3A_47 = tpu.memref_slice %arg8[%dma_start3A_45, %dma_start3A_46] : memref<48x128xf32, #tpu.memory_space<vmem>> -> memref<16x128xf32, #tpu.memory_space<vmem>>
        tpu.enqueue_dma source(%dma_start3A_47 : memref<16x128xf32, #tpu.memory_space<vmem>>) target(%dma_start3A_44 : memref<16x128xf32, #tpu.memory_space<hbm>>) target_semaphore(%run_scoped3A : memref<!tpu.dma_semaphore, #tpu.memory_space<semaphore_mem>>)
        %dma_wait3A = arith.constant 0 : i32
        %dma_wait3A_48 = arith.constant 0 : i32
        %dma_wait3A_49 = tpu.memref_slice %arg8[%dma_wait3A, %dma_wait3A_48] : memref<48x128xf32, #tpu.memory_space<vmem>> -> memref<16x128xf32, #tpu.memory_space<vmem>>
        %dma_wait3A_50 = arith.constant 9984 : i32
        %dma_wait3A_51 = arith.constant 0 : i32
        %dma_wait3A_52 = tpu.memref_slice %arg4[%arg0, %dma_wait3A_50, %dma_wait3A_51] : memref<2x10000x128xf32, #tpu.memory_space<hbm>> -> memref<1x16x128xf32, #tpu.memory_space<hbm>>
        %dma_wait3A_53 = tpu.memref_squeeze %dma_wait3A_52 : memref<1x16x128xf32, #tpu.memory_space<hbm>> -> memref<16x128xf32, #tpu.memory_space<hbm>>
        %dma_wait3A_54 = arith.constant 9984 : i32
        %dma_wait3A_55 = arith.constant 0 : i32
        %dma_wait3A_56 = tpu.memref_slice %arg4[%arg0, %dma_wait3A_54, %dma_wait3A_55] : memref<2x10000x128xf32, #tpu.memory_space<hbm>> -> memref<1x16x128xf32, #tpu.memory_space<hbm>>
        %dma_wait3A_57 = tpu.memref_squeeze %dma_wait3A_56 : memref<1x16x128xf32, #tpu.memory_space<hbm>> -> memref<16x128xf32, #tpu.memory_space<hbm>>
        %dma_wait3A_58 = arith.constant 0 : i32
        %dma_wait3A_59 = arith.constant 0 : i32
        %dma_wait3A_60 = tpu.memref_slice %arg8[%dma_wait3A_58, %dma_wait3A_59] : memref<48x128xf32, #tpu.memory_space<vmem>> -> memref<16x128xf32, #tpu.memory_space<vmem>>
        tpu.wait_dma2 semaphore(%run_scoped3A : memref<!tpu.dma_semaphore, #tpu.memory_space<semaphore_mem>>) src(%dma_wait3A_60 : memref<16x128xf32, #tpu.memory_space<vmem>>) dst(%dma_wait3A_57 : memref<16x128xf32, #tpu.memory_space<hbm>>)
        tpu.yield
      }) : () -> ()
    } else {
    }
    return
  }
}

module attributes {stable_mosaic.version = 14 : i64} {
  func.func @_edge_body(%arg0: i32, %arg1: memref<2000x128xf32, #tpu.memory_space<vmem>>, %arg2: memref<2000x128xf32, #tpu.memory_space<vmem>>, %arg3: memref<48x96xf32, #tpu.memory_space<vmem>>, %arg4: memref<48x96xf32, #tpu.memory_space<vmem>>, %arg5: memref<96x48xf32, #tpu.memory_space<vmem>>, %arg6: memref<96x32xf32, #tpu.memory_space<vmem>>, %arg7: memref<48x16xf32, #tpu.memory_space<vmem>>, %arg8: memref<16x48xf32, #tpu.memory_space<vmem>>, %arg9: memref<80x80xf32, #tpu.memory_space<vmem>>, %arg10: memref<80x80xf32, #tpu.memory_space<vmem>>, %arg11: memref<32x80xf32, #tpu.memory_space<vmem>>, %arg12: memref<1x80xf32, #tpu.memory_space<vmem>>, %arg13: memref<48x48xf32, #tpu.memory_space<vmem>>, %arg14: memref<48x48xf32, #tpu.memory_space<vmem>>, %arg15: memref<80x80xf32, #tpu.memory_space<vmem>>, %arg16: memref<16x80xf32, #tpu.memory_space<vmem>>, %arg17: memref<1x80xf32, #tpu.memory_space<vmem>>, %arg18: memref<48x48xf32, #tpu.memory_space<vmem>>, %arg19: memref<48x48xf32, #tpu.memory_space<vmem>>, %arg20: memref<80x80xf32, #tpu.memory_space<vmem>>, %arg21: memref<16x80xf32, #tpu.memory_space<vmem>>, %arg22: memref<1x80xf32, #tpu.memory_space<vmem>>, %arg23: memref<2000x128xf32, #tpu.memory_space<vmem>>) attributes {dimension_semantics = [#tpu.dimension_semantics<arbitrary>], iteration_bounds = array<i64: 160>, scalar_prefetch = 0 : i64, scratch_operands = 0 : i64, tpu.core_type = #tpu.core_type<tc>, window_params = [{transform_indices = @transform_0, window_bounds = array<i64: 2000, 128>}, {transform_indices = @transform_1, window_bounds = array<i64: 2000, 128>}, {pipeline_mode = #tpu.pipeline_mode<synchronous>, transform_indices = @transform_2, window_bounds = array<i64: 48, 96>}, {pipeline_mode = #tpu.pipeline_mode<synchronous>, transform_indices = @transform_3, window_bounds = array<i64: 48, 96>}, {pipeline_mode = #tpu.pipeline_mode<synchronous>, transform_indices = @transform_4, window_bounds = array<i64: 96, 48>}, {pipeline_mode = #tpu.pipeline_mode<synchronous>, transform_indices = @transform_5, window_bounds = array<i64: 96, 32>}, {pipeline_mode = #tpu.pipeline_mode<synchronous>, transform_indices = @transform_6, window_bounds = array<i64: 48, 16>}, {pipeline_mode = #tpu.pipeline_mode<synchronous>, transform_indices = @transform_7, window_bounds = array<i64: 16, 48>}, {pipeline_mode = #tpu.pipeline_mode<synchronous>, transform_indices = @transform_8, window_bounds = array<i64: 80, 80>}, {pipeline_mode = #tpu.pipeline_mode<synchronous>, transform_indices = @transform_9, window_bounds = array<i64: 80, 80>}, {pipeline_mode = #tpu.pipeline_mode<synchronous>, transform_indices = @transform_10, window_bounds = array<i64: 32, 80>}, {pipeline_mode = #tpu.pipeline_mode<synchronous>, transform_indices = @transform_11, window_bounds = array<i64: 1, 80>}, {pipeline_mode = #tpu.pipeline_mode<synchronous>, transform_indices = @transform_12, window_bounds = array<i64: 48, 48>}, {pipeline_mode = #tpu.pipeline_mode<synchronous>, transform_indices = @transform_13, window_bounds = array<i64: 48, 48>}, {pipeline_mode = #tpu.pipeline_mode<synchronous>, transform_indices = @transform_14, window_bounds = array<i64: 80, 80>}, {pipeline_mode = #tpu.pipeline_mode<synchronous>, transform_indices = @transform_15, window_bounds = array<i64: 16, 80>}, {pipeline_mode = #tpu.pipeline_mode<synchronous>, transform_indices = @transform_16, window_bounds = array<i64: 1, 80>}, {pipeline_mode = #tpu.pipeline_mode<synchronous>, transform_indices = @transform_17, window_bounds = array<i64: 48, 48>}, {pipeline_mode = #tpu.pipeline_mode<synchronous>, transform_indices = @transform_18, window_bounds = array<i64: 48, 48>}, {pipeline_mode = #tpu.pipeline_mode<synchronous>, transform_indices = @transform_19, window_bounds = array<i64: 80, 80>}, {pipeline_mode = #tpu.pipeline_mode<synchronous>, transform_indices = @transform_20, window_bounds = array<i64: 16, 80>}, {pipeline_mode = #tpu.pipeline_mode<synchronous>, transform_indices = @transform_21, window_bounds = array<i64: 1, 80>}, {transform_indices = @transform_22, window_bounds = array<i64: 2000, 128>}]} {
    %get3A = arith.constant 0 : index
    %get3A_0 = arith.constant 80 : index
    %get3A_1 = vector.load %arg1[%get3A, %get3A_0] : memref<2000x128xf32, #tpu.memory_space<vmem>>, vector<2000x48xf32>
    %get3A_2 = arith.constant 0 : index
    %get3A_3 = arith.constant 80 : index
    %get3A_4 = vector.load %arg2[%get3A_2, %get3A_3] : memref<2000x128xf32, #tpu.memory_space<vmem>>, vector<2000x48xf32>
    %get3A_5 = arith.constant 0 : index
    %get3A_6 = arith.constant 0 : index
    %get3A_7 = vector.load %arg3[%get3A_5, %get3A_6] : memref<48x96xf32, #tpu.memory_space<vmem>>, vector<48x96xf32>
    %dot_general3A = arith.constant dense<0.000000e+00> : vector<2000x96xf32>
    %dot_general3A_8 = tpu.matmul %get3A_1, %get3A_7, %dot_general3A {dimension_numbers = #tpu.dot_dimension_numbers<[1], [0], [0], [1], [0, 0, 1, 1], [], []>, transpose_lhs_hint = false} : vector<2000x48xf32>, vector<48x96xf32>, vector<2000x96xf32> -> vector<2000x96xf32>
    %get3A_9 = arith.constant 0 : index
    %get3A_10 = arith.constant 0 : index
    %get3A_11 = vector.load %arg4[%get3A_9, %get3A_10] : memref<48x96xf32, #tpu.memory_space<vmem>>, vector<48x96xf32>
    %dot_general3A_12 = arith.constant dense<0.000000e+00> : vector<2000x96xf32>
    %dot_general3A_13 = tpu.matmul %get3A_4, %get3A_11, %dot_general3A_12 {dimension_numbers = #tpu.dot_dimension_numbers<[1], [0], [0], [1], [0, 0, 1, 1], [], []>, transpose_lhs_hint = false} : vector<2000x48xf32>, vector<48x96xf32>, vector<2000x96xf32> -> vector<2000x96xf32>
    %add3A = arith.addf %dot_general3A_8, %dot_general3A_13 : vector<2000x96xf32>
    %mul3A = arith.mulf %add3A, %add3A : vector<2000x96xf32>
    %get3A_14 = arith.constant 0 : index
    %get3A_15 = arith.constant 0 : index
    %get3A_16 = vector.load %arg6[%get3A_14, %get3A_15] : memref<96x32xf32, #tpu.memory_space<vmem>>, vector<96x32xf32>
    %dot_general3A_17 = arith.constant dense<0.000000e+00> : vector<2000x32xf32>
    %dot_general3A_18 = tpu.matmul %mul3A, %get3A_16, %dot_general3A_17 {dimension_numbers = #tpu.dot_dimension_numbers<[1], [0], [0], [1], [0, 0, 1, 1], [], []>, transpose_lhs_hint = false} : vector<2000x96xf32>, vector<96x32xf32>, vector<2000x32xf32> -> vector<2000x32xf32>
    %add3A_19 = arith.constant 9.99999996E-13 : f32
    %add3A_20 = vector.broadcast %add3A_19 : f32 to vector<2000x32xf32>
    %add3A_21 = arith.addf %dot_general3A_18, %add3A_20 : vector<2000x32xf32>
    %sqrt3A = math.sqrt %add3A_21 : vector<2000x32xf32>
    %get3A_22 = arith.constant 0 : index
    %get3A_23 = arith.constant 0 : index
    %get3A_24 = vector.load %arg5[%get3A_22, %get3A_23] : memref<96x48xf32, #tpu.memory_space<vmem>>, vector<96x48xf32>
    %dot_general3A_25 = arith.constant dense<0.000000e+00> : vector<2000x48xf32>
    %dot_general3A_26 = tpu.matmul %add3A, %get3A_24, %dot_general3A_25 {dimension_numbers = #tpu.dot_dimension_numbers<[1], [0], [0], [1], [0, 0, 1, 1], [], []>, transpose_lhs_hint = false} : vector<2000x96xf32>, vector<96x48xf32>, vector<2000x48xf32> -> vector<2000x48xf32>
    %get3A_27 = arith.constant 0 : index
    %get3A_28 = arith.constant 0 : index
    %get3A_29 = vector.load %arg1[%get3A_27, %get3A_28] : memref<2000x128xf32, #tpu.memory_space<vmem>>, vector<2000x80xf32>
    %get3A_30 = arith.constant 0 : index
    %get3A_31 = arith.constant 0 : index
    %get3A_32 = vector.load %arg9[%get3A_30, %get3A_31] : memref<80x80xf32, #tpu.memory_space<vmem>>, vector<80x80xf32>
    %dot_general3A_33 = arith.constant dense<0.000000e+00> : vector<2000x80xf32>
    %dot_general3A_34 = tpu.matmul %get3A_29, %get3A_32, %dot_general3A_33 {dimension_numbers = #tpu.dot_dimension_numbers<[1], [0], [0], [1], [0, 0, 1, 1], [], []>, transpose_lhs_hint = false} : vector<2000x80xf32>, vector<80x80xf32>, vector<2000x80xf32> -> vector<2000x80xf32>
    %get3A_35 = arith.constant 0 : index
    %get3A_36 = arith.constant 0 : index
    %get3A_37 = vector.load %arg2[%get3A_35, %get3A_36] : memref<2000x128xf32, #tpu.memory_space<vmem>>, vector<2000x80xf32>
    %get3A_38 = arith.constant 0 : index
    %get3A_39 = arith.constant 0 : index
    %get3A_40 = vector.load %arg10[%get3A_38, %get3A_39] : memref<80x80xf32, #tpu.memory_space<vmem>>, vector<80x80xf32>
    %dot_general3A_41 = arith.constant dense<0.000000e+00> : vector<2000x80xf32>
    %dot_general3A_42 = tpu.matmul %get3A_37, %get3A_40, %dot_general3A_41 {dimension_numbers = #tpu.dot_dimension_numbers<[1], [0], [0], [1], [0, 0, 1, 1], [], []>, transpose_lhs_hint = false} : vector<2000x80xf32>, vector<80x80xf32>, vector<2000x80xf32> -> vector<2000x80xf32>
    %add3A_43 = arith.addf %dot_general3A_34, %dot_general3A_42 : vector<2000x80xf32>
    %get3A_44 = arith.constant 0 : index
    %get3A_45 = arith.constant 0 : index
    %get3A_46 = vector.load %arg11[%get3A_44, %get3A_45] : memref<32x80xf32, #tpu.memory_space<vmem>>, vector<32x80xf32>
    %dot_general3A_47 = arith.constant dense<0.000000e+00> : vector<2000x80xf32>
    %dot_general3A_48 = tpu.matmul %sqrt3A, %get3A_46, %dot_general3A_47 {dimension_numbers = #tpu.dot_dimension_numbers<[1], [0], [0], [1], [0, 0, 1, 1], [], []>, transpose_lhs_hint = false} : vector<2000x32xf32>, vector<32x80xf32>, vector<2000x80xf32> -> vector<2000x80xf32>
    %add3A_49 = arith.addf %add3A_43, %dot_general3A_48 : vector<2000x80xf32>
    %get3A_50 = arith.constant 0 : index
    %get3A_51 = arith.constant 0 : index
    %get3A_52 = vector.load %arg12[%get3A_50, %get3A_51] : memref<1x80xf32, #tpu.memory_space<vmem>>, vector<1x80xf32>
    %add3A_53 = vector.broadcast %get3A_52 : vector<1x80xf32> to vector<2000x80xf32>
    %add3A_54 = arith.addf %add3A_49, %add3A_53 : vector<2000x80xf32>
    %logistic3A = arith.negf %add3A_54 : vector<2000x80xf32>
    %logistic3A_55 = math.exp %logistic3A : vector<2000x80xf32>
    %logistic3A_56 = arith.constant 1.000000e+00 : f32
    %logistic3A_57 = vector.broadcast %logistic3A_56 : f32 to vector<2000x80xf32>
    %logistic3A_58 = arith.addf %logistic3A_57, %logistic3A_55 : vector<2000x80xf32>
    %logistic3A_59 = arith.divf %logistic3A_57, %logistic3A_58 : vector<2000x80xf32>
    %mul3A_60 = arith.mulf %dot_general3A_26, %dot_general3A_26 : vector<2000x48xf32>
    %get3A_61 = arith.constant 0 : index
    %get3A_62 = arith.constant 0 : index
    %get3A_63 = vector.load %arg7[%get3A_61, %get3A_62] : memref<48x16xf32, #tpu.memory_space<vmem>>, vector<48x16xf32>
    %dot_general3A_64 = arith.constant dense<0.000000e+00> : vector<2000x16xf32>
    %dot_general3A_65 = tpu.matmul %mul3A_60, %get3A_63, %dot_general3A_64 {dimension_numbers = #tpu.dot_dimension_numbers<[1], [0], [0], [1], [0, 0, 1, 1], [], []>, transpose_lhs_hint = false} : vector<2000x48xf32>, vector<48x16xf32>, vector<2000x16xf32> -> vector<2000x16xf32>
    %add3A_66 = arith.constant 9.99999996E-13 : f32
    %add3A_67 = vector.broadcast %add3A_66 : f32 to vector<2000x16xf32>
    %add3A_68 = arith.addf %dot_general3A_65, %add3A_67 : vector<2000x16xf32>
    %sqrt3A_69 = math.sqrt %add3A_68 : vector<2000x16xf32>
    %logistic3A_70 = arith.negf %sqrt3A_69 : vector<2000x16xf32>
    %logistic3A_71 = math.exp %logistic3A_70 : vector<2000x16xf32>
    %logistic3A_72 = arith.constant 1.000000e+00 : f32
    %logistic3A_73 = vector.broadcast %logistic3A_72 : f32 to vector<2000x16xf32>
    %logistic3A_74 = arith.addf %logistic3A_73, %logistic3A_71 : vector<2000x16xf32>
    %logistic3A_75 = arith.divf %logistic3A_73, %logistic3A_74 : vector<2000x16xf32>
    %get3A_76 = arith.constant 0 : index
    %get3A_77 = arith.constant 0 : index
    %get3A_78 = vector.load %arg8[%get3A_76, %get3A_77] : memref<16x48xf32, #tpu.memory_space<vmem>>, vector<16x48xf32>
    %dot_general3A_79 = arith.constant dense<0.000000e+00> : vector<2000x48xf32>
    %dot_general3A_80 = tpu.matmul %logistic3A_75, %get3A_78, %dot_general3A_79 {dimension_numbers = #tpu.dot_dimension_numbers<[1], [0], [0], [1], [0, 0, 1, 1], [], []>, transpose_lhs_hint = false} : vector<2000x16xf32>, vector<16x48xf32>, vector<2000x48xf32> -> vector<2000x48xf32>
    %mul3A_81 = arith.mulf %dot_general3A_80, %dot_general3A_26 : vector<2000x48xf32>
    %get3A_82 = arith.constant 0 : index
    %get3A_83 = arith.constant 0 : index
    %get3A_84 = vector.load %arg13[%get3A_82, %get3A_83] : memref<48x48xf32, #tpu.memory_space<vmem>>, vector<48x48xf32>
    %get3A_85 = arith.constant 0 : index
    %get3A_86 = arith.constant 0 : index
    %get3A_87 = vector.load %arg14[%get3A_85, %get3A_86] : memref<48x48xf32, #tpu.memory_space<vmem>>, vector<48x48xf32>
    %get3A_88 = arith.constant 0 : index
    %get3A_89 = arith.constant 0 : index
    %get3A_90 = vector.load %arg7[%get3A_88, %get3A_89] : memref<48x16xf32, #tpu.memory_space<vmem>>, vector<48x16xf32>
    %get3A_91 = arith.constant 0 : index
    %get3A_92 = arith.constant 0 : index
    %get3A_93 = vector.load %arg7[%get3A_91, %get3A_92] : memref<48x16xf32, #tpu.memory_space<vmem>>, vector<48x16xf32>
    %get3A_94 = arith.constant 0 : index
    %get3A_95 = arith.constant 0 : index
    %get3A_96 = vector.load %arg8[%get3A_94, %get3A_95] : memref<16x48xf32, #tpu.memory_space<vmem>>, vector<16x48xf32>
    %get3A_97 = arith.constant 0 : index
    %get3A_98 = arith.constant 0 : index
    %get3A_99 = vector.load %arg15[%get3A_97, %get3A_98] : memref<80x80xf32, #tpu.memory_space<vmem>>, vector<80x80xf32>
    %get3A_100 = arith.constant 0 : index
    %get3A_101 = arith.constant 0 : index
    %get3A_102 = vector.load %arg16[%get3A_100, %get3A_101] : memref<16x80xf32, #tpu.memory_space<vmem>>, vector<16x80xf32>
    %get3A_103 = arith.constant 0 : index
    %get3A_104 = arith.constant 0 : index
    %get3A_105 = vector.load %arg17[%get3A_103, %get3A_104] : memref<1x80xf32, #tpu.memory_space<vmem>>, vector<1x80xf32>
    %dot_general3A_106 = arith.constant dense<0.000000e+00> : vector<2000x48xf32>
    %dot_general3A_107 = tpu.matmul %mul3A_81, %get3A_84, %dot_general3A_106 {dimension_numbers = #tpu.dot_dimension_numbers<[1], [0], [0], [1], [0, 0, 1, 1], [], []>, transpose_lhs_hint = false} : vector<2000x48xf32>, vector<48x48xf32>, vector<2000x48xf32> -> vector<2000x48xf32>
    %mul3A_108 = arith.mulf %dot_general3A_107, %dot_general3A_107 : vector<2000x48xf32>
    %dot_general3A_109 = arith.constant dense<0.000000e+00> : vector<2000x16xf32>
    %dot_general3A_110 = tpu.matmul %mul3A_108, %get3A_90, %dot_general3A_109 {dimension_numbers = #tpu.dot_dimension_numbers<[1], [0], [0], [1], [0, 0, 1, 1], [], []>, transpose_lhs_hint = false} : vector<2000x48xf32>, vector<48x16xf32>, vector<2000x16xf32> -> vector<2000x16xf32>
    %add3A_111 = arith.constant 9.99999996E-13 : f32
    %add3A_112 = vector.broadcast %add3A_111 : f32 to vector<2000x16xf32>
    %add3A_113 = arith.addf %dot_general3A_110, %add3A_112 : vector<2000x16xf32>
    %sqrt3A_114 = math.sqrt %add3A_113 : vector<2000x16xf32>
    %dot_general3A_115 = arith.constant dense<0.000000e+00> : vector<2000x48xf32>
    %dot_general3A_116 = tpu.matmul %dot_general3A_107, %get3A_87, %dot_general3A_115 {dimension_numbers = #tpu.dot_dimension_numbers<[1], [0], [0], [1], [0, 0, 1, 1], [], []>, transpose_lhs_hint = false} : vector<2000x48xf32>, vector<48x48xf32>, vector<2000x48xf32> -> vector<2000x48xf32>
    %dot_general3A_117 = arith.constant dense<0.000000e+00> : vector<2000x80xf32>
    %dot_general3A_118 = tpu.matmul %logistic3A_59, %get3A_99, %dot_general3A_117 {dimension_numbers = #tpu.dot_dimension_numbers<[1], [0], [0], [1], [0, 0, 1, 1], [], []>, transpose_lhs_hint = false} : vector<2000x80xf32>, vector<80x80xf32>, vector<2000x80xf32> -> vector<2000x80xf32>
    %dot_general3A_119 = arith.constant dense<0.000000e+00> : vector<2000x80xf32>
    %dot_general3A_120 = tpu.matmul %sqrt3A_114, %get3A_102, %dot_general3A_119 {dimension_numbers = #tpu.dot_dimension_numbers<[1], [0], [0], [1], [0, 0, 1, 1], [], []>, transpose_lhs_hint = false} : vector<2000x16xf32>, vector<16x80xf32>, vector<2000x80xf32> -> vector<2000x80xf32>
    %add3A_121 = arith.addf %dot_general3A_118, %dot_general3A_120 : vector<2000x80xf32>
    %add3A_122 = vector.broadcast %get3A_105 : vector<1x80xf32> to vector<2000x80xf32>
    %add3A_123 = arith.addf %add3A_121, %add3A_122 : vector<2000x80xf32>
    %logistic3A_124 = arith.negf %add3A_123 : vector<2000x80xf32>
    %logistic3A_125 = math.exp %logistic3A_124 : vector<2000x80xf32>
    %logistic3A_126 = arith.constant 1.000000e+00 : f32
    %logistic3A_127 = vector.broadcast %logistic3A_126 : f32 to vector<2000x80xf32>
    %logistic3A_128 = arith.addf %logistic3A_127, %logistic3A_125 : vector<2000x80xf32>
    %logistic3A_129 = arith.divf %logistic3A_127, %logistic3A_128 : vector<2000x80xf32>
    %mul3A_130 = arith.mulf %dot_general3A_116, %dot_general3A_116 : vector<2000x48xf32>
    %dot_general3A_131 = arith.constant dense<0.000000e+00> : vector<2000x16xf32>
    %dot_general3A_132 = tpu.matmul %mul3A_130, %get3A_93, %dot_general3A_131 {dimension_numbers = #tpu.dot_dimension_numbers<[1], [0], [0], [1], [0, 0, 1, 1], [], []>, transpose_lhs_hint = false} : vector<2000x48xf32>, vector<48x16xf32>, vector<2000x16xf32> -> vector<2000x16xf32>
    %add3A_133 = arith.constant 9.99999996E-13 : f32
    %add3A_134 = vector.broadcast %add3A_133 : f32 to vector<2000x16xf32>
    %add3A_135 = arith.addf %dot_general3A_132, %add3A_134 : vector<2000x16xf32>
    %sqrt3A_136 = math.sqrt %add3A_135 : vector<2000x16xf32>
    %logistic3A_137 = arith.negf %sqrt3A_136 : vector<2000x16xf32>
    %logistic3A_138 = math.exp %logistic3A_137 : vector<2000x16xf32>
    %logistic3A_139 = arith.constant 1.000000e+00 : f32
    %logistic3A_140 = vector.broadcast %logistic3A_139 : f32 to vector<2000x16xf32>
    %logistic3A_141 = arith.addf %logistic3A_140, %logistic3A_138 : vector<2000x16xf32>
    %logistic3A_142 = arith.divf %logistic3A_140, %logistic3A_141 : vector<2000x16xf32>
    %dot_general3A_143 = arith.constant dense<0.000000e+00> : vector<2000x48xf32>
    %dot_general3A_144 = tpu.matmul %logistic3A_142, %get3A_96, %dot_general3A_143 {dimension_numbers = #tpu.dot_dimension_numbers<[1], [0], [0], [1], [0, 0, 1, 1], [], []>, transpose_lhs_hint = false} : vector<2000x16xf32>, vector<16x48xf32>, vector<2000x48xf32> -> vector<2000x48xf32>
    %mul3A_145 = arith.mulf %dot_general3A_144, %dot_general3A_116 : vector<2000x48xf32>
    %get3A_146 = arith.constant 0 : index
    %get3A_147 = arith.constant 0 : index
    %get3A_148 = vector.load %arg18[%get3A_146, %get3A_147] : memref<48x48xf32, #tpu.memory_space<vmem>>, vector<48x48xf32>
    %get3A_149 = arith.constant 0 : index
    %get3A_150 = arith.constant 0 : index
    %get3A_151 = vector.load %arg19[%get3A_149, %get3A_150] : memref<48x48xf32, #tpu.memory_space<vmem>>, vector<48x48xf32>
    %get3A_152 = arith.constant 0 : index
    %get3A_153 = arith.constant 0 : index
    %get3A_154 = vector.load %arg7[%get3A_152, %get3A_153] : memref<48x16xf32, #tpu.memory_space<vmem>>, vector<48x16xf32>
    %get3A_155 = arith.constant 0 : index
    %get3A_156 = arith.constant 0 : index
    %get3A_157 = vector.load %arg7[%get3A_155, %get3A_156] : memref<48x16xf32, #tpu.memory_space<vmem>>, vector<48x16xf32>
    %get3A_158 = arith.constant 0 : index
    %get3A_159 = arith.constant 0 : index
    %get3A_160 = vector.load %arg8[%get3A_158, %get3A_159] : memref<16x48xf32, #tpu.memory_space<vmem>>, vector<16x48xf32>
    %get3A_161 = arith.constant 0 : index
    %get3A_162 = arith.constant 0 : index
    %get3A_163 = vector.load %arg20[%get3A_161, %get3A_162] : memref<80x80xf32, #tpu.memory_space<vmem>>, vector<80x80xf32>
    %get3A_164 = arith.constant 0 : index
    %get3A_165 = arith.constant 0 : index
    %get3A_166 = vector.load %arg21[%get3A_164, %get3A_165] : memref<16x80xf32, #tpu.memory_space<vmem>>, vector<16x80xf32>
    %get3A_167 = arith.constant 0 : index
    %get3A_168 = arith.constant 0 : index
    %get3A_169 = vector.load %arg22[%get3A_167, %get3A_168] : memref<1x80xf32, #tpu.memory_space<vmem>>, vector<1x80xf32>
    %dot_general3A_170 = arith.constant dense<0.000000e+00> : vector<2000x48xf32>
    %dot_general3A_171 = tpu.matmul %mul3A_145, %get3A_148, %dot_general3A_170 {dimension_numbers = #tpu.dot_dimension_numbers<[1], [0], [0], [1], [0, 0, 1, 1], [], []>, transpose_lhs_hint = false} : vector<2000x48xf32>, vector<48x48xf32>, vector<2000x48xf32> -> vector<2000x48xf32>
    %mul3A_172 = arith.mulf %dot_general3A_171, %dot_general3A_171 : vector<2000x48xf32>
    %dot_general3A_173 = arith.constant dense<0.000000e+00> : vector<2000x16xf32>
    %dot_general3A_174 = tpu.matmul %mul3A_172, %get3A_154, %dot_general3A_173 {dimension_numbers = #tpu.dot_dimension_numbers<[1], [0], [0], [1], [0, 0, 1, 1], [], []>, transpose_lhs_hint = false} : vector<2000x48xf32>, vector<48x16xf32>, vector<2000x16xf32> -> vector<2000x16xf32>
    %add3A_175 = arith.constant 9.99999996E-13 : f32
    %add3A_176 = vector.broadcast %add3A_175 : f32 to vector<2000x16xf32>
    %add3A_177 = arith.addf %dot_general3A_174, %add3A_176 : vector<2000x16xf32>
    %sqrt3A_178 = math.sqrt %add3A_177 : vector<2000x16xf32>
    %dot_general3A_179 = arith.constant dense<0.000000e+00> : vector<2000x48xf32>
    %dot_general3A_180 = tpu.matmul %dot_general3A_171, %get3A_151, %dot_general3A_179 {dimension_numbers = #tpu.dot_dimension_numbers<[1], [0], [0], [1], [0, 0, 1, 1], [], []>, transpose_lhs_hint = false} : vector<2000x48xf32>, vector<48x48xf32>, vector<2000x48xf32> -> vector<2000x48xf32>
    %dot_general3A_181 = arith.constant dense<0.000000e+00> : vector<2000x80xf32>
    %dot_general3A_182 = tpu.matmul %logistic3A_129, %get3A_163, %dot_general3A_181 {dimension_numbers = #tpu.dot_dimension_numbers<[1], [0], [0], [1], [0, 0, 1, 1], [], []>, transpose_lhs_hint = false} : vector<2000x80xf32>, vector<80x80xf32>, vector<2000x80xf32> -> vector<2000x80xf32>
    %dot_general3A_183 = arith.constant dense<0.000000e+00> : vector<2000x80xf32>
    %dot_general3A_184 = tpu.matmul %sqrt3A_178, %get3A_166, %dot_general3A_183 {dimension_numbers = #tpu.dot_dimension_numbers<[1], [0], [0], [1], [0, 0, 1, 1], [], []>, transpose_lhs_hint = false} : vector<2000x16xf32>, vector<16x80xf32>, vector<2000x80xf32> -> vector<2000x80xf32>
    %add3A_185 = arith.addf %dot_general3A_182, %dot_general3A_184 : vector<2000x80xf32>
    %add3A_186 = vector.broadcast %get3A_169 : vector<1x80xf32> to vector<2000x80xf32>
    %add3A_187 = arith.addf %add3A_185, %add3A_186 : vector<2000x80xf32>
    %logistic3A_188 = arith.negf %add3A_187 : vector<2000x80xf32>
    %logistic3A_189 = math.exp %logistic3A_188 : vector<2000x80xf32>
    %logistic3A_190 = arith.constant 1.000000e+00 : f32
    %logistic3A_191 = vector.broadcast %logistic3A_190 : f32 to vector<2000x80xf32>
    %logistic3A_192 = arith.addf %logistic3A_191, %logistic3A_189 : vector<2000x80xf32>
    %logistic3A_193 = arith.divf %logistic3A_191, %logistic3A_192 : vector<2000x80xf32>
    %mul3A_194 = arith.mulf %dot_general3A_180, %dot_general3A_180 : vector<2000x48xf32>
    %dot_general3A_195 = arith.constant dense<0.000000e+00> : vector<2000x16xf32>
    %dot_general3A_196 = tpu.matmul %mul3A_194, %get3A_157, %dot_general3A_195 {dimension_numbers = #tpu.dot_dimension_numbers<[1], [0], [0], [1], [0, 0, 1, 1], [], []>, transpose_lhs_hint = false} : vector<2000x48xf32>, vector<48x16xf32>, vector<2000x16xf32> -> vector<2000x16xf32>
    %add3A_197 = arith.constant 9.99999996E-13 : f32
    %add3A_198 = vector.broadcast %add3A_197 : f32 to vector<2000x16xf32>
    %add3A_199 = arith.addf %dot_general3A_196, %add3A_198 : vector<2000x16xf32>
    %sqrt3A_200 = math.sqrt %add3A_199 : vector<2000x16xf32>
    %logistic3A_201 = arith.negf %sqrt3A_200 : vector<2000x16xf32>
    %logistic3A_202 = math.exp %logistic3A_201 : vector<2000x16xf32>
    %logistic3A_203 = arith.constant 1.000000e+00 : f32
    %logistic3A_204 = vector.broadcast %logistic3A_203 : f32 to vector<2000x16xf32>
    %logistic3A_205 = arith.addf %logistic3A_204, %logistic3A_202 : vector<2000x16xf32>
    %logistic3A_206 = arith.divf %logistic3A_204, %logistic3A_205 : vector<2000x16xf32>
    %dot_general3A_207 = arith.constant dense<0.000000e+00> : vector<2000x48xf32>
    %dot_general3A_208 = tpu.matmul %logistic3A_206, %get3A_160, %dot_general3A_207 {dimension_numbers = #tpu.dot_dimension_numbers<[1], [0], [0], [1], [0, 0, 1, 1], [], []>, transpose_lhs_hint = false} : vector<2000x16xf32>, vector<16x48xf32>, vector<2000x48xf32> -> vector<2000x48xf32>
    %mul3A_209 = arith.mulf %dot_general3A_208, %dot_general3A_180 : vector<2000x48xf32>
    %swap3A = arith.constant 0 : index
    %swap3A_210 = arith.constant 0 : index
    %swap3A_211 = vector.load %arg23[%swap3A, %swap3A_210] : memref<2000x128xf32, #tpu.memory_space<vmem>>, vector<2000x80xf32>
    tpu.vector_store %arg23[%swap3A, %swap3A_210], %logistic3A_193 {strides = array<i32>} : memref<2000x128xf32, #tpu.memory_space<vmem>>, vector<2000x80xf32>,
    %swap3A_212 = arith.constant 0 : index
    %swap3A_213 = arith.constant 80 : index
    %swap3A_214 = vector.load %arg23[%swap3A_212, %swap3A_213] : memref<2000x128xf32, #tpu.memory_space<vmem>>, vector<2000x48xf32>
    tpu.vector_store %arg23[%swap3A_212, %swap3A_213], %mul3A_209 {strides = array<i32>} : memref<2000x128xf32, #tpu.memory_space<vmem>>, vector<2000x48xf32>,
    return
  }
  func.func @transform_0(%arg0: i32) -> (i32, i32) {
    %c0_i32 = arith.constant 0 : i32
    %c0_i32_0 = arith.constant 0 : i32
    return %arg0, %c0_i32 : i32, i32
  }
  func.func @transform_1(%arg0: i32) -> (i32, i32) {
    %c0_i32 = arith.constant 0 : i32
    %c0_i32_0 = arith.constant 0 : i32
    return %arg0, %c0_i32 : i32, i32
  }
  func.func @transform_2(%arg0: i32) -> (i32, i32) {
    %c0_i32 = arith.constant 0 : i32
    %c0_i32_0 = arith.constant 0 : i32
    %c0_i32_1 = arith.constant 0 : i32
    return %c0_i32, %c0_i32_0 : i32, i32
  }
  func.func @transform_3(%arg0: i32) -> (i32, i32) {
    %c0_i32 = arith.constant 0 : i32
    %c0_i32_0 = arith.constant 0 : i32
    %c0_i32_1 = arith.constant 0 : i32
    return %c0_i32, %c0_i32_0 : i32, i32
  }
  func.func @transform_4(%arg0: i32) -> (i32, i32) {
    %c0_i32 = arith.constant 0 : i32
    %c0_i32_0 = arith.constant 0 : i32
    %c0_i32_1 = arith.constant 0 : i32
    return %c0_i32, %c0_i32_0 : i32, i32
  }
  func.func @transform_5(%arg0: i32) -> (i32, i32) {
    %c0_i32 = arith.constant 0 : i32
    %c0_i32_0 = arith.constant 0 : i32
    %c0_i32_1 = arith.constant 0 : i32
    return %c0_i32, %c0_i32_0 : i32, i32
  }
  func.func @transform_6(%arg0: i32) -> (i32, i32) {
    %c0_i32 = arith.constant 0 : i32
    %c0_i32_0 = arith.constant 0 : i32
    %c0_i32_1 = arith.constant 0 : i32
    return %c0_i32, %c0_i32_0 : i32, i32
  }
  func.func @transform_7(%arg0: i32) -> (i32, i32) {
    %c0_i32 = arith.constant 0 : i32
    %c0_i32_0 = arith.constant 0 : i32
    %c0_i32_1 = arith.constant 0 : i32
    return %c0_i32, %c0_i32_0 : i32, i32
  }
  func.func @transform_8(%arg0: i32) -> (i32, i32) {
    %c0_i32 = arith.constant 0 : i32
    %c0_i32_0 = arith.constant 0 : i32
    %c0_i32_1 = arith.constant 0 : i32
    return %c0_i32, %c0_i32_0 : i32, i32
  }
  func.func @transform_9(%arg0: i32) -> (i32, i32) {
    %c0_i32 = arith.constant 0 : i32
    %c0_i32_0 = arith.constant 0 : i32
    %c0_i32_1 = arith.constant 0 : i32
    return %c0_i32, %c0_i32_0 : i32, i32
  }
  func.func @transform_10(%arg0: i32) -> (i32, i32) {
    %c0_i32 = arith.constant 0 : i32
    %c0_i32_0 = arith.constant 0 : i32
    %c0_i32_1 = arith.constant 0 : i32
    return %c0_i32, %c0_i32_0 : i32, i32
  }
  func.func @transform_11(%arg0: i32) -> (i32, i32) {
    %c0_i32 = arith.constant 0 : i32
    %c0_i32_0 = arith.constant 0 : i32
    %c0_i32_1 = arith.constant 0 : i32
    return %c0_i32, %c0_i32_0 : i32, i32
  }
  func.func @transform_12(%arg0: i32) -> (i32, i32) {
    %c0_i32 = arith.constant 0 : i32
    %c0_i32_0 = arith.constant 0 : i32
    %c0_i32_1 = arith.constant 0 : i32
    return %c0_i32, %c0_i32_0 : i32, i32
  }
  func.func @transform_13(%arg0: i32) -> (i32, i32) {
    %c0_i32 = arith.constant 0 : i32
    %c0_i32_0 = arith.constant 0 : i32
    %c0_i32_1 = arith.constant 0 : i32
    return %c0_i32, %c0_i32_0 : i32, i32
  }
  func.func @transform_14(%arg0: i32) -> (i32, i32) {
    %c0_i32 = arith.constant 0 : i32
    %c0_i32_0 = arith.constant 0 : i32
    %c0_i32_1 = arith.constant 0 : i32
    return %c0_i32, %c0_i32_0 : i32, i32
  }
  func.func @transform_15(%arg0: i32) -> (i32, i32) {
    %c0_i32 = arith.constant 0 : i32
    %c0_i32_0 = arith.constant 0 : i32
    %c0_i32_1 = arith.constant 0 : i32
    return %c0_i32, %c0_i32_0 : i32, i32
  }
  func.func @transform_16(%arg0: i32) -> (i32, i32) {
    %c0_i32 = arith.constant 0 : i32
    %c0_i32_0 = arith.constant 0 : i32
    %c0_i32_1 = arith.constant 0 : i32
    return %c0_i32, %c0_i32_0 : i32, i32
  }
  func.func @transform_17(%arg0: i32) -> (i32, i32) {
    %c0_i32 = arith.constant 0 : i32
    %c0_i32_0 = arith.constant 0 : i32
    %c0_i32_1 = arith.constant 0 : i32
    return %c0_i32, %c0_i32_0 : i32, i32
  }
  func.func @transform_18(%arg0: i32) -> (i32, i32) {
    %c0_i32 = arith.constant 0 : i32
    %c0_i32_0 = arith.constant 0 : i32
    %c0_i32_1 = arith.constant 0 : i32
    return %c0_i32, %c0_i32_0 : i32, i32
  }
  func.func @transform_19(%arg0: i32) -> (i32, i32) {
    %c0_i32 = arith.constant 0 : i32
    %c0_i32_0 = arith.constant 0 : i32
    %c0_i32_1 = arith.constant 0 : i32
    return %c0_i32, %c0_i32_0 : i32, i32
  }
  func.func @transform_20(%arg0: i32) -> (i32, i32) {
    %c0_i32 = arith.constant 0 : i32
    %c0_i32_0 = arith.constant 0 : i32
    %c0_i32_1 = arith.constant 0 : i32
    return %c0_i32, %c0_i32_0 : i32, i32
  }
  func.func @transform_21(%arg0: i32) -> (i32, i32) {
    %c0_i32 = arith.constant 0 : i32
    %c0_i32_0 = arith.constant 0 : i32
    %c0_i32_1 = arith.constant 0 : i32
    return %c0_i32, %c0_i32_0 : i32, i32
  }
  func.func @transform_22(%arg0: i32) -> (i32, i32) {
    %c0_i32 = arith.constant 0 : i32
    %c0_i32_0 = arith.constant 0 : i32
    return %arg0, %c0_i32 : i32, i32
  }
}

module attributes {stable_mosaic.version = 14 : i64} {
  func.func @_node_body(%arg0: i32, %arg1: memref<2x1000x128xf32, #tpu.memory_space<vmem>>, %arg2: memref<2x1000x128xf32, #tpu.memory_space<vmem>>, %arg3: memref<1x80xf32, #tpu.memory_space<vmem>>, %arg4: memref<1x80xf32, #tpu.memory_space<vmem>>, %arg5: memref<48x96xf32, #tpu.memory_space<vmem>>, %arg6: memref<96x96xf32, #tpu.memory_space<vmem>>, %arg7: memref<96x32xf32, #tpu.memory_space<vmem>>, %arg8: memref<32x96xf32, #tpu.memory_space<vmem>>, %arg9: memref<80x320xf32, #tpu.memory_space<vmem>>, %arg10: memref<32x320xf32, #tpu.memory_space<vmem>>, %arg11: memref<1x320xf32, #tpu.memory_space<vmem>>, %arg12: memref<96x96xf32, #tpu.memory_space<vmem>>, %arg13: memref<96x48xf32, #tpu.memory_space<vmem>>, %arg14: memref<48x16xf32, #tpu.memory_space<vmem>>, %arg15: memref<16x48xf32, #tpu.memory_space<vmem>>, %arg16: memref<320x80xf32, #tpu.memory_space<vmem>>, %arg17: memref<32x80xf32, #tpu.memory_space<vmem>>, %arg18: memref<1x80xf32, #tpu.memory_space<vmem>>, %arg19: memref<1x80xf32, #tpu.memory_space<vmem>>, %arg20: memref<1x80xf32, #tpu.memory_space<vmem>>, %arg21: memref<80x1xf32, #tpu.memory_space<vmem>>, %arg22: memref<48x1xf32, #tpu.memory_space<vmem>>, %arg23: memref<1x1xf32, #tpu.memory_space<vmem>>, %arg24: memref<1000x1xf32, #tpu.memory_space<vmem>>) attributes {dimension_semantics = [#tpu.dimension_semantics<arbitrary>], iteration_bounds = array<i64: 10>, scalar_prefetch = 0 : i64, scratch_operands = 0 : i64, tpu.core_type = #tpu.core_type<tc>, window_params = [{transform_indices = @transform_0, window_bounds = array<i64: 2, 1000, 128>}, {transform_indices = @transform_1, window_bounds = array<i64: 2, 1000, 128>}, {pipeline_mode = #tpu.pipeline_mode<synchronous>, transform_indices = @transform_2, window_bounds = array<i64: 1, 80>}, {pipeline_mode = #tpu.pipeline_mode<synchronous>, transform_indices = @transform_3, window_bounds = array<i64: 1, 80>}, {pipeline_mode = #tpu.pipeline_mode<synchronous>, transform_indices = @transform_4, window_bounds = array<i64: 48, 96>}, {pipeline_mode = #tpu.pipeline_mode<synchronous>, transform_indices = @transform_5, window_bounds = array<i64: 96, 96>}, {pipeline_mode = #tpu.pipeline_mode<synchronous>, transform_indices = @transform_6, window_bounds = array<i64: 96, 32>}, {pipeline_mode = #tpu.pipeline_mode<synchronous>, transform_indices = @transform_7, window_bounds = array<i64: 32, 96>}, {pipeline_mode = #tpu.pipeline_mode<synchronous>, transform_indices = @transform_8, window_bounds = array<i64: 80, 320>}, {pipeline_mode = #tpu.pipeline_mode<synchronous>, transform_indices = @transform_9, window_bounds = array<i64: 32, 320>}, {pipeline_mode = #tpu.pipeline_mode<synchronous>, transform_indices = @transform_10, window_bounds = array<i64: 1, 320>}, {pipeline_mode = #tpu.pipeline_mode<synchronous>, transform_indices = @transform_11, window_bounds = array<i64: 96, 96>}, {pipeline_mode = #tpu.pipeline_mode<synchronous>, transform_indices = @transform_12, window_bounds = array<i64: 96, 48>}, {pipeline_mode = #tpu.pipeline_mode<synchronous>, transform_indices = @transform_13, window_bounds = array<i64: 48, 16>}, {pipeline_mode = #tpu.pipeline_mode<synchronous>, transform_indices = @transform_14, window_bounds = array<i64: 16, 48>}, {pipeline_mode = #tpu.pipeline_mode<synchronous>, transform_indices = @transform_15, window_bounds = array<i64: 320, 80>}, {pipeline_mode = #tpu.pipeline_mode<synchronous>, transform_indices = @transform_16, window_bounds = array<i64: 32, 80>}, {pipeline_mode = #tpu.pipeline_mode<synchronous>, transform_indices = @transform_17, window_bounds = array<i64: 1, 80>}, {pipeline_mode = #tpu.pipeline_mode<synchronous>, transform_indices = @transform_18, window_bounds = array<i64: 1, 80>}, {pipeline_mode = #tpu.pipeline_mode<synchronous>, transform_indices = @transform_19, window_bounds = array<i64: 1, 80>}, {pipeline_mode = #tpu.pipeline_mode<synchronous>, transform_indices = @transform_20, window_bounds = array<i64: 80, 1>}, {pipeline_mode = #tpu.pipeline_mode<synchronous>, transform_indices = @transform_21, window_bounds = array<i64: 48, 1>}, {pipeline_mode = #tpu.pipeline_mode<synchronous>, transform_indices = @transform_22, window_bounds = array<i64: 1, 1>}, {transform_indices = @transform_23, window_bounds = array<i64: 1000, 1>}]} {
    %get3A = arith.constant 0 : index
    %get3A_0 = arith.constant 0 : index
    %get3A_1 = arith.constant 0 : index
    %get3A_2 = vector.load %arg1[%get3A, %get3A_0, %get3A_1] : memref<2x1000x128xf32, #tpu.memory_space<vmem>>, vector<1x1000x128xf32>
    %get3A_3 = vector.shape_cast %get3A_2 : vector<1x1000x128xf32> to vector<1000x128xf32>
    %get3A_4 = arith.constant 1 : index
    %get3A_5 = arith.constant 0 : index
    %get3A_6 = arith.constant 0 : index
    %get3A_7 = vector.load %arg1[%get3A_4, %get3A_5, %get3A_6] : memref<2x1000x128xf32, #tpu.memory_space<vmem>>, vector<1x1000x128xf32>
    %get3A_8 = vector.shape_cast %get3A_7 : vector<1x1000x128xf32> to vector<1000x128xf32>
    %add3A = arith.addf %get3A_3, %get3A_8 : vector<1000x128xf32>
    %get3A_9 = arith.constant 0 : index
    %get3A_10 = arith.constant 0 : index
    %get3A_11 = arith.constant 0 : index
    %get3A_12 = vector.load %arg2[%get3A_9, %get3A_10, %get3A_11] : memref<2x1000x128xf32, #tpu.memory_space<vmem>>, vector<1x1000x1xf32>
    %get3A_13 = vector.shape_cast %get3A_12 : vector<1x1000x1xf32> to vector<1000x1xf32>
    %get3A_14 = arith.constant 1 : index
    %get3A_15 = arith.constant 0 : index
    %get3A_16 = arith.constant 0 : index
    %get3A_17 = vector.load %arg2[%get3A_14, %get3A_15, %get3A_16] : memref<2x1000x128xf32, #tpu.memory_space<vmem>>, vector<1x1000x1xf32>
    %get3A_18 = vector.shape_cast %get3A_17 : vector<1x1000x1xf32> to vector<1000x1xf32>
    %add3A_19 = arith.addf %get3A_13, %get3A_18 : vector<1000x1xf32>
    %max3A = arith.constant 1.000000e+00 : f32
    %max3A_20 = vector.broadcast %max3A : f32 to vector<1000x1xf32>
    %max3A_21 = arith.maximumf %add3A_19, %max3A_20 : vector<1000x1xf32>
    %div3A = arith.constant 1.000000e+00 : f32
    %div3A_22 = vector.broadcast %div3A : f32 to vector<1000x1xf32>
    %div3A_23 = arith.divf %div3A_22, %max3A_21 : vector<1000x1xf32>
    %slice3A = vector.extract_strided_slice %add3A {offsets = [0, 0], sizes = [1000, 80], strides = [1, 1]} : vector<1000x128xf32> to vector<1000x80xf32>
    %mul3A = vector.broadcast %div3A_23 : vector<1000x1xf32> to vector<1000x80xf32>
    %mul3A_24 = arith.mulf %slice3A, %mul3A : vector<1000x80xf32>
    %slice3A_25 = vector.extract_strided_slice %add3A {offsets = [0, 80], sizes = [1000, 48], strides = [1, 1]} : vector<1000x128xf32> to vector<1000x48xf32>
    %mul3A_26 = vector.broadcast %div3A_23 : vector<1000x1xf32> to vector<1000x48xf32>
    %mul3A_27 = arith.mulf %slice3A_25, %mul3A_26 : vector<1000x48xf32>
    %reduce_sum3A = arith.constant dense<0.000000e+00> : vector<1000xf32>
    %reduce_sum3A_28 = vector.multi_reduction <add>, %mul3A_24, %reduce_sum3A [1] : vector<1000x80xf32> to vector<1000xf32>
    %broadcast_in_dim3A = vector.shape_cast %reduce_sum3A_28 : vector<1000xf32> to vector<1000x1xf32>
    %div3A_29 = arith.constant 8.000000e+01 : f32
    %div3A_30 = vector.broadcast %div3A_29 : f32 to vector<1000x1xf32>
    %div3A_31 = arith.divf %broadcast_in_dim3A, %div3A_30 : vector<1000x1xf32>
    %sub3A = vector.broadcast %div3A_31 : vector<1000x1xf32> to vector<1000x80xf32>
    %sub3A_32 = arith.subf %mul3A_24, %sub3A : vector<1000x80xf32>
    %integer_pow3A = arith.mulf %sub3A_32, %sub3A_32 : vector<1000x80xf32>
    %reduce_sum3A_33 = arith.constant dense<0.000000e+00> : vector<1000xf32>
    %reduce_sum3A_34 = vector.multi_reduction <add>, %integer_pow3A, %reduce_sum3A_33 [1] : vector<1000x80xf32> to vector<1000xf32>
    %broadcast_in_dim3A_35 = vector.shape_cast %reduce_sum3A_34 : vector<1000xf32> to vector<1000x1xf32>
    %div3A_36 = arith.constant 8.000000e+01 : f32
    %div3A_37 = vector.broadcast %div3A_36 : f32 to vector<1000x1xf32>
    %div3A_38 = arith.divf %broadcast_in_dim3A_35, %div3A_37 : vector<1000x1xf32>
    %sub3A_39 = vector.broadcast %div3A_31 : vector<1000x1xf32> to vector<1000x80xf32>
    %sub3A_40 = arith.subf %mul3A_24, %sub3A_39 : vector<1000x80xf32>
    %add3A_41 = arith.constant 9.99999974E-6 : f32
    %add3A_42 = vector.broadcast %add3A_41 : f32 to vector<1000x1xf32>
    %add3A_43 = arith.addf %div3A_38, %add3A_42 : vector<1000x1xf32>
    %sqrt3A = math.sqrt %add3A_43 : vector<1000x1xf32>
    %div3A_44 = vector.broadcast %sqrt3A : vector<1000x1xf32> to vector<1000x80xf32>
    %div3A_45 = arith.divf %sub3A_40, %div3A_44 : vector<1000x80xf32>
    %get3A_46 = arith.constant 0 : index
    %get3A_47 = arith.constant 0 : index
    %get3A_48 = vector.load %arg3[%get3A_46, %get3A_47] : memref<1x80xf32, #tpu.memory_space<vmem>>, vector<1x80xf32>
    %mul3A_49 = vector.broadcast %get3A_48 : vector<1x80xf32> to vector<1000x80xf32>
    %mul3A_50 = arith.mulf %div3A_45, %mul3A_49 : vector<1000x80xf32>
    %get3A_51 = arith.constant 0 : index
    %get3A_52 = arith.constant 0 : index
    %get3A_53 = vector.load %arg4[%get3A_51, %get3A_52] : memref<1x80xf32, #tpu.memory_space<vmem>>, vector<1x80xf32>
    %add3A_54 = vector.broadcast %get3A_53 : vector<1x80xf32> to vector<1000x80xf32>
    %add3A_55 = arith.addf %mul3A_50, %add3A_54 : vector<1000x80xf32>
    %mul3A_56 = arith.mulf %mul3A_27, %mul3A_27 : vector<1000x48xf32>
    %reduce_sum3A_57 = arith.constant dense<0.000000e+00> : vector<1000xf32>
    %reduce_sum3A_58 = vector.multi_reduction <add>, %mul3A_56, %reduce_sum3A_57 [1] : vector<1000x48xf32> to vector<1000xf32>
    %broadcast_in_dim3A_59 = vector.shape_cast %reduce_sum3A_58 : vector<1000xf32> to vector<1000x1xf32>
    %sqrt3A_60 = math.sqrt %broadcast_in_dim3A_59 : vector<1000x1xf32>
    %add3A_61 = arith.constant 9.99999993E-9 : f32
    %add3A_62 = vector.broadcast %add3A_61 : f32 to vector<1000x1xf32>
    %add3A_63 = arith.addf %sqrt3A_60, %add3A_62 : vector<1000x1xf32>
    %div3A_64 = vector.broadcast %add3A_63 : vector<1000x1xf32> to vector<1000x48xf32>
    %div3A_65 = arith.divf %mul3A_27, %div3A_64 : vector<1000x48xf32>
    %get3A_66 = arith.constant 0 : index
    %get3A_67 = arith.constant 0 : index
    %get3A_68 = vector.load %arg5[%get3A_66, %get3A_67] : memref<48x96xf32, #tpu.memory_space<vmem>>, vector<48x96xf32>
    %get3A_69 = arith.constant 0 : index
    %get3A_70 = arith.constant 0 : index
    %get3A_71 = vector.load %arg6[%get3A_69, %get3A_70] : memref<96x96xf32, #tpu.memory_space<vmem>>, vector<96x96xf32>
    %get3A_72 = arith.constant 0 : index
    %get3A_73 = arith.constant 0 : index
    %get3A_74 = vector.load %arg7[%get3A_72, %get3A_73] : memref<96x32xf32, #tpu.memory_space<vmem>>, vector<96x32xf32>
    %get3A_75 = arith.constant 0 : index
    %get3A_76 = arith.constant 0 : index
    %get3A_77 = vector.load %arg7[%get3A_75, %get3A_76] : memref<96x32xf32, #tpu.memory_space<vmem>>, vector<96x32xf32>
    %get3A_78 = arith.constant 0 : index
    %get3A_79 = arith.constant 0 : index
    %get3A_80 = vector.load %arg8[%get3A_78, %get3A_79] : memref<32x96xf32, #tpu.memory_space<vmem>>, vector<32x96xf32>
    %get3A_81 = arith.constant 0 : index
    %get3A_82 = arith.constant 0 : index
    %get3A_83 = vector.load %arg9[%get3A_81, %get3A_82] : memref<80x320xf32, #tpu.memory_space<vmem>>, vector<80x320xf32>
    %get3A_84 = arith.constant 0 : index
    %get3A_85 = arith.constant 0 : index
    %get3A_86 = vector.load %arg10[%get3A_84, %get3A_85] : memref<32x320xf32, #tpu.memory_space<vmem>>, vector<32x320xf32>
    %get3A_87 = arith.constant 0 : index
    %get3A_88 = arith.constant 0 : index
    %get3A_89 = vector.load %arg11[%get3A_87, %get3A_88] : memref<1x320xf32, #tpu.memory_space<vmem>>, vector<1x320xf32>
    %dot_general3A = arith.constant dense<0.000000e+00> : vector<1000x96xf32>
    %dot_general3A_90 = tpu.matmul %div3A_65, %get3A_68, %dot_general3A {dimension_numbers = #tpu.dot_dimension_numbers<[1], [0], [0], [1], [0, 0, 1, 1], [], []>, transpose_lhs_hint = false} : vector<1000x48xf32>, vector<48x96xf32>, vector<1000x96xf32> -> vector<1000x96xf32>
    %mul3A_91 = arith.mulf %dot_general3A_90, %dot_general3A_90 : vector<1000x96xf32>
    %dot_general3A_92 = arith.constant dense<0.000000e+00> : vector<1000x32xf32>
    %dot_general3A_93 = tpu.matmul %mul3A_91, %get3A_74, %dot_general3A_92 {dimension_numbers = #tpu.dot_dimension_numbers<[1], [0], [0], [1], [0, 0, 1, 1], [], []>, transpose_lhs_hint = false} : vector<1000x96xf32>, vector<96x32xf32>, vector<1000x32xf32> -> vector<1000x32xf32>
    %add3A_94 = arith.constant 9.99999996E-13 : f32
    %add3A_95 = vector.broadcast %add3A_94 : f32 to vector<1000x32xf32>
    %add3A_96 = arith.addf %dot_general3A_93, %add3A_95 : vector<1000x32xf32>
    %sqrt3A_97 = math.sqrt %add3A_96 : vector<1000x32xf32>
    %dot_general3A_98 = arith.constant dense<0.000000e+00> : vector<1000x96xf32>
    %dot_general3A_99 = tpu.matmul %dot_general3A_90, %get3A_71, %dot_general3A_98 {dimension_numbers = #tpu.dot_dimension_numbers<[1], [0], [0], [1], [0, 0, 1, 1], [], []>, transpose_lhs_hint = false} : vector<1000x96xf32>, vector<96x96xf32>, vector<1000x96xf32> -> vector<1000x96xf32>
    %dot_general3A_100 = arith.constant dense<0.000000e+00> : vector<1000x320xf32>
    %dot_general3A_101 = tpu.matmul %add3A_55, %get3A_83, %dot_general3A_100 {dimension_numbers = #tpu.dot_dimension_numbers<[1], [0], [0], [1], [0, 0, 1, 1], [], []>, transpose_lhs_hint = false} : vector<1000x80xf32>, vector<80x320xf32>, vector<1000x320xf32> -> vector<1000x320xf32>
    %dot_general3A_102 = arith.constant dense<0.000000e+00> : vector<1000x320xf32>
    %dot_general3A_103 = tpu.matmul %sqrt3A_97, %get3A_86, %dot_general3A_102 {dimension_numbers = #tpu.dot_dimension_numbers<[1], [0], [0], [1], [0, 0, 1, 1], [], []>, transpose_lhs_hint = false} : vector<1000x32xf32>, vector<32x320xf32>, vector<1000x320xf32> -> vector<1000x320xf32>
    %add3A_104 = arith.addf %dot_general3A_101, %dot_general3A_103 : vector<1000x320xf32>
    %add3A_105 = vector.broadcast %get3A_89 : vector<1x320xf32> to vector<1000x320xf32>
    %add3A_106 = arith.addf %add3A_104, %add3A_105 : vector<1000x320xf32>
    %logistic3A = arith.negf %add3A_106 : vector<1000x320xf32>
    %logistic3A_107 = math.exp %logistic3A : vector<1000x320xf32>
    %logistic3A_108 = arith.constant 1.000000e+00 : f32
    %logistic3A_109 = vector.broadcast %logistic3A_108 : f32 to vector<1000x320xf32>
    %logistic3A_110 = arith.addf %logistic3A_109, %logistic3A_107 : vector<1000x320xf32>
    %logistic3A_111 = arith.divf %logistic3A_109, %logistic3A_110 : vector<1000x320xf32>
    %mul3A_112 = arith.mulf %dot_general3A_99, %dot_general3A_99 : vector<1000x96xf32>
    %dot_general3A_113 = arith.constant dense<0.000000e+00> : vector<1000x32xf32>
    %dot_general3A_114 = tpu.matmul %mul3A_112, %get3A_77, %dot_general3A_113 {dimension_numbers = #tpu.dot_dimension_numbers<[1], [0], [0], [1], [0, 0, 1, 1], [], []>, transpose_lhs_hint = false} : vector<1000x96xf32>, vector<96x32xf32>, vector<1000x32xf32> -> vector<1000x32xf32>
    %add3A_115 = arith.constant 9.99999996E-13 : f32
    %add3A_116 = vector.broadcast %add3A_115 : f32 to vector<1000x32xf32>
    %add3A_117 = arith.addf %dot_general3A_114, %add3A_116 : vector<1000x32xf32>
    %sqrt3A_118 = math.sqrt %add3A_117 : vector<1000x32xf32>
    %logistic3A_119 = arith.negf %sqrt3A_118 : vector<1000x32xf32>
    %logistic3A_120 = math.exp %logistic3A_119 : vector<1000x32xf32>
    %logistic3A_121 = arith.constant 1.000000e+00 : f32
    %logistic3A_122 = vector.broadcast %logistic3A_121 : f32 to vector<1000x32xf32>
    %logistic3A_123 = arith.addf %logistic3A_122, %logistic3A_120 : vector<1000x32xf32>
    %logistic3A_124 = arith.divf %logistic3A_122, %logistic3A_123 : vector<1000x32xf32>
    %dot_general3A_125 = arith.constant dense<0.000000e+00> : vector<1000x96xf32>
    %dot_general3A_126 = tpu.matmul %logistic3A_124, %get3A_80, %dot_general3A_125 {dimension_numbers = #tpu.dot_dimension_numbers<[1], [0], [0], [1], [0, 0, 1, 1], [], []>, transpose_lhs_hint = false} : vector<1000x32xf32>, vector<32x96xf32>, vector<1000x96xf32> -> vector<1000x96xf32>
    %mul3A_127 = arith.mulf %dot_general3A_126, %dot_general3A_99 : vector<1000x96xf32>
    %get3A_128 = arith.constant 0 : index
    %get3A_129 = arith.constant 0 : index
    %get3A_130 = vector.load %arg12[%get3A_128, %get3A_129] : memref<96x96xf32, #tpu.memory_space<vmem>>, vector<96x96xf32>
    %get3A_131 = arith.constant 0 : index
    %get3A_132 = arith.constant 0 : index
    %get3A_133 = vector.load %arg13[%get3A_131, %get3A_132] : memref<96x48xf32, #tpu.memory_space<vmem>>, vector<96x48xf32>
    %get3A_134 = arith.constant 0 : index
    %get3A_135 = arith.constant 0 : index
    %get3A_136 = vector.load %arg7[%get3A_134, %get3A_135] : memref<96x32xf32, #tpu.memory_space<vmem>>, vector<96x32xf32>
    %get3A_137 = arith.constant 0 : index
    %get3A_138 = arith.constant 0 : index
    %get3A_139 = vector.load %arg14[%get3A_137, %get3A_138] : memref<48x16xf32, #tpu.memory_space<vmem>>, vector<48x16xf32>
    %get3A_140 = arith.constant 0 : index
    %get3A_141 = arith.constant 0 : index
    %get3A_142 = vector.load %arg15[%get3A_140, %get3A_141] : memref<16x48xf32, #tpu.memory_space<vmem>>, vector<16x48xf32>
    %get3A_143 = arith.constant 0 : index
    %get3A_144 = arith.constant 0 : index
    %get3A_145 = vector.load %arg16[%get3A_143, %get3A_144] : memref<320x80xf32, #tpu.memory_space<vmem>>, vector<320x80xf32>
    %get3A_146 = arith.constant 0 : index
    %get3A_147 = arith.constant 0 : index
    %get3A_148 = vector.load %arg17[%get3A_146, %get3A_147] : memref<32x80xf32, #tpu.memory_space<vmem>>, vector<32x80xf32>
    %get3A_149 = arith.constant 0 : index
    %get3A_150 = arith.constant 0 : index
    %get3A_151 = vector.load %arg18[%get3A_149, %get3A_150] : memref<1x80xf32, #tpu.memory_space<vmem>>, vector<1x80xf32>
    %dot_general3A_152 = arith.constant dense<0.000000e+00> : vector<1000x96xf32>
    %dot_general3A_153 = tpu.matmul %mul3A_127, %get3A_130, %dot_general3A_152 {dimension_numbers = #tpu.dot_dimension_numbers<[1], [0], [0], [1], [0, 0, 1, 1], [], []>, transpose_lhs_hint = false} : vector<1000x96xf32>, vector<96x96xf32>, vector<1000x96xf32> -> vector<1000x96xf32>
    %mul3A_154 = arith.mulf %dot_general3A_153, %dot_general3A_153 : vector<1000x96xf32>
    %dot_general3A_155 = arith.constant dense<0.000000e+00> : vector<1000x32xf32>
    %dot_general3A_156 = tpu.matmul %mul3A_154, %get3A_136, %dot_general3A_155 {dimension_numbers = #tpu.dot_dimension_numbers<[1], [0], [0], [1], [0, 0, 1, 1], [], []>, transpose_lhs_hint = false} : vector<1000x96xf32>, vector<96x32xf32>, vector<1000x32xf32> -> vector<1000x32xf32>
    %add3A_157 = arith.constant 9.99999996E-13 : f32
    %add3A_158 = vector.broadcast %add3A_157 : f32 to vector<1000x32xf32>
    %add3A_159 = arith.addf %dot_general3A_156, %add3A_158 : vector<1000x32xf32>
    %sqrt3A_160 = math.sqrt %add3A_159 : vector<1000x32xf32>
    %dot_general3A_161 = arith.constant dense<0.000000e+00> : vector<1000x48xf32>
    %dot_general3A_162 = tpu.matmul %dot_general3A_153, %get3A_133, %dot_general3A_161 {dimension_numbers = #tpu.dot_dimension_numbers<[1], [0], [0], [1], [0, 0, 1, 1], [], []>, transpose_lhs_hint = false} : vector<1000x96xf32>, vector<96x48xf32>, vector<1000x48xf32> -> vector<1000x48xf32>
    %dot_general3A_163 = arith.constant dense<0.000000e+00> : vector<1000x80xf32>
    %dot_general3A_164 = tpu.matmul %logistic3A_111, %get3A_145, %dot_general3A_163 {dimension_numbers = #tpu.dot_dimension_numbers<[1], [0], [0], [1], [0, 0, 1, 1], [], []>, transpose_lhs_hint = false} : vector<1000x320xf32>, vector<320x80xf32>, vector<1000x80xf32> -> vector<1000x80xf32>
    %dot_general3A_165 = arith.constant dense<0.000000e+00> : vector<1000x80xf32>
    %dot_general3A_166 = tpu.matmul %sqrt3A_160, %get3A_148, %dot_general3A_165 {dimension_numbers = #tpu.dot_dimension_numbers<[1], [0], [0], [1], [0, 0, 1, 1], [], []>, transpose_lhs_hint = false} : vector<1000x32xf32>, vector<32x80xf32>, vector<1000x80xf32> -> vector<1000x80xf32>
    %add3A_167 = arith.addf %dot_general3A_164, %dot_general3A_166 : vector<1000x80xf32>
    %add3A_168 = vector.broadcast %get3A_151 : vector<1x80xf32> to vector<1000x80xf32>
    %add3A_169 = arith.addf %add3A_167, %add3A_168 : vector<1000x80xf32>
    %logistic3A_170 = arith.negf %add3A_169 : vector<1000x80xf32>
    %logistic3A_171 = math.exp %logistic3A_170 : vector<1000x80xf32>
    %logistic3A_172 = arith.constant 1.000000e+00 : f32
    %logistic3A_173 = vector.broadcast %logistic3A_172 : f32 to vector<1000x80xf32>
    %logistic3A_174 = arith.addf %logistic3A_173, %logistic3A_171 : vector<1000x80xf32>
    %logistic3A_175 = arith.divf %logistic3A_173, %logistic3A_174 : vector<1000x80xf32>
    %mul3A_176 = arith.mulf %dot_general3A_162, %dot_general3A_162 : vector<1000x48xf32>
    %dot_general3A_177 = arith.constant dense<0.000000e+00> : vector<1000x16xf32>
    %dot_general3A_178 = tpu.matmul %mul3A_176, %get3A_139, %dot_general3A_177 {dimension_numbers = #tpu.dot_dimension_numbers<[1], [0], [0], [1], [0, 0, 1, 1], [], []>, transpose_lhs_hint = false} : vector<1000x48xf32>, vector<48x16xf32>, vector<1000x16xf32> -> vector<1000x16xf32>
    %add3A_179 = arith.constant 9.99999996E-13 : f32
    %add3A_180 = vector.broadcast %add3A_179 : f32 to vector<1000x16xf32>
    %add3A_181 = arith.addf %dot_general3A_178, %add3A_180 : vector<1000x16xf32>
    %sqrt3A_182 = math.sqrt %add3A_181 : vector<1000x16xf32>
    %logistic3A_183 = arith.negf %sqrt3A_182 : vector<1000x16xf32>
    %logistic3A_184 = math.exp %logistic3A_183 : vector<1000x16xf32>
    %logistic3A_185 = arith.constant 1.000000e+00 : f32
    %logistic3A_186 = vector.broadcast %logistic3A_185 : f32 to vector<1000x16xf32>
    %logistic3A_187 = arith.addf %logistic3A_186, %logistic3A_184 : vector<1000x16xf32>
    %logistic3A_188 = arith.divf %logistic3A_186, %logistic3A_187 : vector<1000x16xf32>
    %dot_general3A_189 = arith.constant dense<0.000000e+00> : vector<1000x48xf32>
    %dot_general3A_190 = tpu.matmul %logistic3A_188, %get3A_142, %dot_general3A_189 {dimension_numbers = #tpu.dot_dimension_numbers<[1], [0], [0], [1], [0, 0, 1, 1], [], []>, transpose_lhs_hint = false} : vector<1000x16xf32>, vector<16x48xf32>, vector<1000x48xf32> -> vector<1000x48xf32>
    %mul3A_191 = arith.mulf %dot_general3A_190, %dot_general3A_162 : vector<1000x48xf32>
    %add3A_192 = arith.addf %add3A_55, %logistic3A_175 : vector<1000x80xf32>
    %add3A_193 = arith.addf %div3A_65, %mul3A_191 : vector<1000x48xf32>
    %reduce_sum3A_194 = arith.constant dense<0.000000e+00> : vector<1000xf32>
    %reduce_sum3A_195 = vector.multi_reduction <add>, %add3A_192, %reduce_sum3A_194 [1] : vector<1000x80xf32> to vector<1000xf32>
    %broadcast_in_dim3A_196 = vector.shape_cast %reduce_sum3A_195 : vector<1000xf32> to vector<1000x1xf32>
    %div3A_197 = arith.constant 8.000000e+01 : f32
    %div3A_198 = vector.broadcast %div3A_197 : f32 to vector<1000x1xf32>
    %div3A_199 = arith.divf %broadcast_in_dim3A_196, %div3A_198 : vector<1000x1xf32>
    %sub3A_200 = vector.broadcast %div3A_199 : vector<1000x1xf32> to vector<1000x80xf32>
    %sub3A_201 = arith.subf %add3A_192, %sub3A_200 : vector<1000x80xf32>
    %integer_pow3A_202 = arith.mulf %sub3A_201, %sub3A_201 : vector<1000x80xf32>
    %reduce_sum3A_203 = arith.constant dense<0.000000e+00> : vector<1000xf32>
    %reduce_sum3A_204 = vector.multi_reduction <add>, %integer_pow3A_202, %reduce_sum3A_203 [1] : vector<1000x80xf32> to vector<1000xf32>
    %broadcast_in_dim3A_205 = vector.shape_cast %reduce_sum3A_204 : vector<1000xf32> to vector<1000x1xf32>
    %div3A_206 = arith.constant 8.000000e+01 : f32
    %div3A_207 = vector.broadcast %div3A_206 : f32 to vector<1000x1xf32>
    %div3A_208 = arith.divf %broadcast_in_dim3A_205, %div3A_207 : vector<1000x1xf32>
    %sub3A_209 = vector.broadcast %div3A_199 : vector<1000x1xf32> to vector<1000x80xf32>
    %sub3A_210 = arith.subf %add3A_192, %sub3A_209 : vector<1000x80xf32>
    %add3A_211 = arith.constant 9.99999974E-6 : f32
    %add3A_212 = vector.broadcast %add3A_211 : f32 to vector<1000x1xf32>
    %add3A_213 = arith.addf %div3A_208, %add3A_212 : vector<1000x1xf32>
    %sqrt3A_214 = math.sqrt %add3A_213 : vector<1000x1xf32>
    %div3A_215 = vector.broadcast %sqrt3A_214 : vector<1000x1xf32> to vector<1000x80xf32>
    %div3A_216 = arith.divf %sub3A_210, %div3A_215 : vector<1000x80xf32>
    %get3A_217 = arith.constant 0 : index
    %get3A_218 = arith.constant 0 : index
    %get3A_219 = vector.load %arg19[%get3A_217, %get3A_218] : memref<1x80xf32, #tpu.memory_space<vmem>>, vector<1x80xf32>
    %mul3A_220 = vector.broadcast %get3A_219 : vector<1x80xf32> to vector<1000x80xf32>
    %mul3A_221 = arith.mulf %div3A_216, %mul3A_220 : vector<1000x80xf32>
    %get3A_222 = arith.constant 0 : index
    %get3A_223 = arith.constant 0 : index
    %get3A_224 = vector.load %arg20[%get3A_222, %get3A_223] : memref<1x80xf32, #tpu.memory_space<vmem>>, vector<1x80xf32>
    %add3A_225 = vector.broadcast %get3A_224 : vector<1x80xf32> to vector<1000x80xf32>
    %add3A_226 = arith.addf %mul3A_221, %add3A_225 : vector<1000x80xf32>
    %mul3A_227 = arith.mulf %add3A_193, %add3A_193 : vector<1000x48xf32>
    %reduce_sum3A_228 = arith.constant dense<0.000000e+00> : vector<1000xf32>
    %reduce_sum3A_229 = vector.multi_reduction <add>, %mul3A_227, %reduce_sum3A_228 [1] : vector<1000x48xf32> to vector<1000xf32>
    %broadcast_in_dim3A_230 = vector.shape_cast %reduce_sum3A_229 : vector<1000xf32> to vector<1000x1xf32>
    %sqrt3A_231 = math.sqrt %broadcast_in_dim3A_230 : vector<1000x1xf32>
    %add3A_232 = arith.constant 9.99999993E-9 : f32
    %add3A_233 = vector.broadcast %add3A_232 : f32 to vector<1000x1xf32>
    %add3A_234 = arith.addf %sqrt3A_231, %add3A_233 : vector<1000x1xf32>
    %div3A_235 = vector.broadcast %add3A_234 : vector<1000x1xf32> to vector<1000x48xf32>
    %div3A_236 = arith.divf %add3A_193, %div3A_235 : vector<1000x48xf32>
    %get3A_237 = arith.constant 0 : index
    %get3A_238 = arith.constant 0 : index
    %get3A_239 = vector.load %arg21[%get3A_237, %get3A_238] : memref<80x1xf32, #tpu.memory_space<vmem>>, vector<80x1xf32>
    %dot_general3A_240 = arith.constant dense<0.000000e+00> : vector<1000x1xf32>
    %dot_general3A_241 = tpu.matmul %add3A_226, %get3A_239, %dot_general3A_240 {dimension_numbers = #tpu.dot_dimension_numbers<[1], [0], [0], [1], [0, 0, 1, 1], [], []>, transpose_lhs_hint = false} : vector<1000x80xf32>, vector<80x1xf32>, vector<1000x1xf32> -> vector<1000x1xf32>
    %get3A_242 = arith.constant 0 : index
    %get3A_243 = arith.constant 0 : index
    %get3A_244 = vector.load %arg22[%get3A_242, %get3A_243] : memref<48x1xf32, #tpu.memory_space<vmem>>, vector<48x1xf32>
    %dot_general3A_245 = arith.constant dense<0.000000e+00> : vector<1000x1xf32>
    %dot_general3A_246 = tpu.matmul %div3A_236, %get3A_244, %dot_general3A_245 {dimension_numbers = #tpu.dot_dimension_numbers<[1], [0], [0], [1], [0, 0, 1, 1], [], []>, transpose_lhs_hint = false} : vector<1000x48xf32>, vector<48x1xf32>, vector<1000x1xf32> -> vector<1000x1xf32>
    %add3A_247 = arith.addf %dot_general3A_241, %dot_general3A_246 : vector<1000x1xf32>
    %get3A_248 = arith.constant 0 : index
    %get3A_249 = arith.constant 0 : index
    %get3A_250 = vector.load %arg23[%get3A_248, %get3A_249] : memref<1x1xf32, #tpu.memory_space<vmem>>, vector<1x1xf32>
    %add3A_251 = vector.broadcast %get3A_250 : vector<1x1xf32> to vector<1000x1xf32>
    %add3A_252 = arith.addf %add3A_247, %add3A_251 : vector<1000x1xf32>
    %swap3A = arith.constant 0 : index
    %swap3A_253 = arith.constant 0 : index
    %swap3A_254 = vector.load %arg24[%swap3A, %swap3A_253] : memref<1000x1xf32, #tpu.memory_space<vmem>>, vector<1000x1xf32>
    tpu.vector_store %arg24[%swap3A, %swap3A_253], %add3A_252 {strides = array<i32>} : memref<1000x1xf32, #tpu.memory_space<vmem>>, vector<1000x1xf32>,
    return
  }
  func.func @transform_0(%arg0: i32) -> (i32, i32, i32) {
    %c0_i32 = arith.constant 0 : i32
    %c0_i32_0 = arith.constant 0 : i32
    %c0_i32_1 = arith.constant 0 : i32
    return %c0_i32, %arg0, %c0_i32_0 : i32, i32, i32
  }
  func.func @transform_1(%arg0: i32) -> (i32, i32, i32) {
    %c0_i32 = arith.constant 0 : i32
    %c0_i32_0 = arith.constant 0 : i32
    %c0_i32_1 = arith.constant 0 : i32
    return %c0_i32, %arg0, %c0_i32_0 : i32, i32, i32
  }
  func.func @transform_2(%arg0: i32) -> (i32, i32) {
    %c0_i32 = arith.constant 0 : i32
    %c0_i32_0 = arith.constant 0 : i32
    %c0_i32_1 = arith.constant 0 : i32
    return %c0_i32, %c0_i32_0 : i32, i32
  }
  func.func @transform_3(%arg0: i32) -> (i32, i32) {
    %c0_i32 = arith.constant 0 : i32
    %c0_i32_0 = arith.constant 0 : i32
    %c0_i32_1 = arith.constant 0 : i32
    return %c0_i32, %c0_i32_0 : i32, i32
  }
  func.func @transform_4(%arg0: i32) -> (i32, i32) {
    %c0_i32 = arith.constant 0 : i32
    %c0_i32_0 = arith.constant 0 : i32
    %c0_i32_1 = arith.constant 0 : i32
    return %c0_i32, %c0_i32_0 : i32, i32
  }
  func.func @transform_5(%arg0: i32) -> (i32, i32) {
    %c0_i32 = arith.constant 0 : i32
    %c0_i32_0 = arith.constant 0 : i32
    %c0_i32_1 = arith.constant 0 : i32
    return %c0_i32, %c0_i32_0 : i32, i32
  }
  func.func @transform_6(%arg0: i32) -> (i32, i32) {
    %c0_i32 = arith.constant 0 : i32
    %c0_i32_0 = arith.constant 0 : i32
    %c0_i32_1 = arith.constant 0 : i32
    return %c0_i32, %c0_i32_0 : i32, i32
  }
  func.func @transform_7(%arg0: i32) -> (i32, i32) {
    %c0_i32 = arith.constant 0 : i32
    %c0_i32_0 = arith.constant 0 : i32
    %c0_i32_1 = arith.constant 0 : i32
    return %c0_i32, %c0_i32_0 : i32, i32
  }
  func.func @transform_8(%arg0: i32) -> (i32, i32) {
    %c0_i32 = arith.constant 0 : i32
    %c0_i32_0 = arith.constant 0 : i32
    %c0_i32_1 = arith.constant 0 : i32
    return %c0_i32, %c0_i32_0 : i32, i32
  }
  func.func @transform_9(%arg0: i32) -> (i32, i32) {
    %c0_i32 = arith.constant 0 : i32
    %c0_i32_0 = arith.constant 0 : i32
    %c0_i32_1 = arith.constant 0 : i32
    return %c0_i32, %c0_i32_0 : i32, i32
  }
  func.func @transform_10(%arg0: i32) -> (i32, i32) {
    %c0_i32 = arith.constant 0 : i32
    %c0_i32_0 = arith.constant 0 : i32
    %c0_i32_1 = arith.constant 0 : i32
    return %c0_i32, %c0_i32_0 : i32, i32
  }
  func.func @transform_11(%arg0: i32) -> (i32, i32) {
    %c0_i32 = arith.constant 0 : i32
    %c0_i32_0 = arith.constant 0 : i32
    %c0_i32_1 = arith.constant 0 : i32
    return %c0_i32, %c0_i32_0 : i32, i32
  }
  func.func @transform_12(%arg0: i32) -> (i32, i32) {
    %c0_i32 = arith.constant 0 : i32
    %c0_i32_0 = arith.constant 0 : i32
    %c0_i32_1 = arith.constant 0 : i32
    return %c0_i32, %c0_i32_0 : i32, i32
  }
  func.func @transform_13(%arg0: i32) -> (i32, i32) {
    %c0_i32 = arith.constant 0 : i32
    %c0_i32_0 = arith.constant 0 : i32
    %c0_i32_1 = arith.constant 0 : i32
    return %c0_i32, %c0_i32_0 : i32, i32
  }
  func.func @transform_14(%arg0: i32) -> (i32, i32) {
    %c0_i32 = arith.constant 0 : i32
    %c0_i32_0 = arith.constant 0 : i32
    %c0_i32_1 = arith.constant 0 : i32
    return %c0_i32, %c0_i32_0 : i32, i32
  }
  func.func @transform_15(%arg0: i32) -> (i32, i32) {
    %c0_i32 = arith.constant 0 : i32
    %c0_i32_0 = arith.constant 0 : i32
    %c0_i32_1 = arith.constant 0 : i32
    return %c0_i32, %c0_i32_0 : i32, i32
  }
  func.func @transform_16(%arg0: i32) -> (i32, i32) {
    %c0_i32 = arith.constant 0 : i32
    %c0_i32_0 = arith.constant 0 : i32
    %c0_i32_1 = arith.constant 0 : i32
    return %c0_i32, %c0_i32_0 : i32, i32
  }
  func.func @transform_17(%arg0: i32) -> (i32, i32) {
    %c0_i32 = arith.constant 0 : i32
    %c0_i32_0 = arith.constant 0 : i32
    %c0_i32_1 = arith.constant 0 : i32
    return %c0_i32, %c0_i32_0 : i32, i32
  }
  func.func @transform_18(%arg0: i32) -> (i32, i32) {
    %c0_i32 = arith.constant 0 : i32
    %c0_i32_0 = arith.constant 0 : i32
    %c0_i32_1 = arith.constant 0 : i32
    return %c0_i32, %c0_i32_0 : i32, i32
  }
  func.func @transform_19(%arg0: i32) -> (i32, i32) {
    %c0_i32 = arith.constant 0 : i32
    %c0_i32_0 = arith.constant 0 : i32
    %c0_i32_1 = arith.constant 0 : i32
    return %c0_i32, %c0_i32_0 : i32, i32
  }
  func.func @transform_20(%arg0: i32) -> (i32, i32) {
    %c0_i32 = arith.constant 0 : i32
    %c0_i32_0 = arith.constant 0 : i32
    %c0_i32_1 = arith.constant 0 : i32
    return %c0_i32, %c0_i32_0 : i32, i32
  }
  func.func @transform_21(%arg0: i32) -> (i32, i32) {
    %c0_i32 = arith.constant 0 : i32
    %c0_i32_0 = arith.constant 0 : i32
    %c0_i32_1 = arith.constant 0 : i32
    return %c0_i32, %c0_i32_0 : i32, i32
  }
  func.func @transform_22(%arg0: i32) -> (i32, i32) {
    %c0_i32 = arith.constant 0 : i32
    %c0_i32_0 = arith.constant 0 : i32
    %c0_i32_1 = arith.constant 0 : i32
    return %c0_i32, %c0_i32_0 : i32, i32
  }
  func.func @transform_23(%arg0: i32) -> (i32, i32) {
    %c0_i32 = arith.constant 0 : i32
    %c0_i32_0 = arith.constant 0 : i32
    return %arg0, %c0_i32 : i32, i32
  }
}

</mosaic_0001>

<sc_bundles>
// kernel: kernel.6.cloned.1.call-start
scs
__scs_entry_jumppad:
0x0: {  	(pc) =	sbr.rel $0x88, $3  }
0x1: {  	(tag) =	ssettag $0x0;
	lr =	simm.s32 $0x1  }
0x2: {  	[smem:$0x3F84] =	sst lr;
	_ =	strace $0xD0000000  }
0x3: {  	_ = 	snop  }
0x4: {  	_ = 	snop  }
0x5: {  	_ = 	snop  }
0x6: {  	_ = 	snop  }
0x7: {  	_ = 	snop  }
__scs_overlays_trampoline_lowered:
0x8: {  	[smem:$0x3F93] =	sst s0  }
0x9: {  	[smem:$0x3F94] =	sst s1  }
0xa: {  	[smem:$0x3F95] =	sst s2  }
0xb: {  	[smem:$0x3F96] =	sst s3  }
0xc: {  	[smem:$0x3F97] =	sst s4  }
0xd: {  	[smem:$0x3F98] =	sst s5  }
0xe: {  	[smem:$0x3F99] =	sst s6  }
0xf: {  	[smem:$0x3F9A] =	sst s7  }
0x10: {  	[smem:$0x3F9B] =	sst s8  }
0x11: {  	[smem:$0x3F9C] =	sst s9;
	s0 =	simm.s32 @!p0 $0x0  }
0x12: {  	s1 =	sld [smem:$0x3F82];
	s0 =	simm.s32 @p0 $0x1  }
0x13: {  	[smem:$0x3F9D] =	sst s0;
	s0 =	simm.s32 @!p1 $0x0  }
0x14: {  	s2 =	sld [smem:$0x3F81];
	s0 =	simm.s32 @p1 $0x1  }
0x15: {  	[smem:$0x3F9E] =	sst s0;
	s0 =	simm.s32 @!p2 $0x0  }
0x16: {  	s3 =	sld [smem:$0x3FDB];
	s0 =	simm.s32 @p2 $0x1  }
0x17: {  	s4 =	simm.s32 $0x1BF5;
	[smem:$0x3FA0] =	sst s0  }
0x18: {  	s0 =	sld [smem:$0x3F83];
	_ =	swait.ge [sflag:s4], $0x0  }
0x19: {  	s7 =	sld [smem:$0x3F84]  }
0x1a: {  	s8 =	sadd.s32 $0xFFFFE003, lr  }
0x1b: {  	s9 =	sadd.s32 $0xFFFFFEF7, lr;
	s5 =	simm.s32 $0xFFFFFFFF;
	p2 =	slt.u32 s8, $0xFFFFF086  }
0x1c: {  	p1 =	slt.u32 s9, $0xF7A;
	s5 =	simm.s32 @!p2 $0x0  }
0x1d: {  	s5 =	simm.s32 @p1 $0x1;
	p0 =	seq.s32 s7, s2  }
0x1e: {  	s7 =	smul.u32 @!p0 $0xF7A, s2;
	p2 =	seq.s32 @!p0 s5, $0x0  }
0x1f: {  	s9 =	smul.u32 $0xF7A, s1;
	s8 =	simm.s32 @!p0 $0x1BF5;
	p2 =	por !p2, p0  }
0x20: {  	[sflag:s8] =	ssyncset.s32 @!p0 $0xFFFFF086;
	s6 =	sadd.s32 @!p0 s3, s7;
	s7 =	simm.s32 @!p0 $0x108  }
0x21: {  	s3 =	sadd.s32 s3, s9;
	s6 =	sadd.s32 @!p0 $0x88, s6;
	s7 =	simm.s32 @p2 $0x1082  }
0x22: {  	[simem:s7], [sflag:s8] =	dma.local @!p0 [hbm:s6], $0xF7A  }
0x23: {  	s9 =	sor.u32 $0xD0000000, s2;
	s6 =	simm.s32 $0x108;
	_ =	swait.ge @!p0 [sflag:s8], $0x0  }
0x24: {  	s3 =	sadd.s32 $0x88, s3;
	s6 =	simm.s32 @!p1 $0x1082;
	[sflag:s4] =	ssyncset.s32 $0xFFFFF086  }
0x25: {  	[simem:s6], [sflag:s4] =	dma.local [hbm:s3], $0xF7A  }
0x26: {  	[smem:$0x3F84] =	sst s1;
	(tag) =	ssettag s2;
	_ =	strace s9  }
0x27: {  	s1 =	sld [smem:$0x3F94]  }
0x28: {  	s2 =	sld [smem:$0x3F95]  }
0x29: {  	s4 =	sld [smem:$0x3F97]  }
0x2a: {  	p0 =	seq.s32 s5, $0x0;
	s5 =	sld [smem:$0x3F98]  }
0x2b: {  	s6 =	sld [smem:$0x3F99]  }
0x2c: {  	s7 =	sld [smem:$0x3F9A]  }
0x2d: {  	s3 =	simm.s32 $0x108;
	s8 =	sld [smem:$0x3F9B]  }
0x2e: {  	s3 =	simm.s32 @!p0 $0x1082;
	s9 =	sld [smem:$0x3F9C]  }
0x2f: {  	lr =	sadd.s32 s0, s3;
	s0 =	sld [smem:$0x3F93]  }
0x30: {  	s3 =	sld [smem:$0x3F96]  }
0x31: {  	[smem:$0x3F9F] =	sst s10  }
0x32: {  	s10 =	sld [smem:$0x3F9D];
	_ =	sdelay $0x3  }
0x33: {  	p0 =	seq.s32 s10, $0x1;
	s10 =	sld [smem:$0x3F9F];
	_ =	sdelay $0x3  }
0x34: {  	[smem:$0x3F9F] =	sst s10  }
0x35: {  	s10 =	sld [smem:$0x3F9E];
	_ =	sdelay $0x3  }
0x36: {  	p1 =	seq.s32 s10, $0x1;
	s10 =	sld [smem:$0x3F9F];
	_ =	sdelay $0x3  }
0x37: {  	[smem:$0x3F9F] =	sst s10  }
0x38: {  	s10 =	sld [smem:$0x3FA0]  }
0x39: {  	_ = 	snop;
	(pc) =	sbr.ind lr, $3  }
0x3a: {  	_ = 	snop  }
0x3b: {  	_ = 	snop  }
0x3c: {  	p2 =	seq.s32 s10, $0x1;
	s10 =	sld [smem:$0x3F9F]  }
0x3d: {  	_ =	shalt  }
0x3e: {  	_ =	shalt  }
0x3f: {  	_ =	shalt  }
0x40: {  	_ =	shalt  }
0x41: {  	_ =	shalt  }
0x42: {  	_ =	shalt  }
0x43: {  	_ =	shalt  }
0x44: {  	_ =	shalt  }
0x45: {  	_ =	shalt  }
0x46: {  	_ =	shalt  }
0x47: {  	_ =	shalt  }
0x48: {  	_ =	shalt  }
0x49: {  	_ =	shalt  }
0x4a: {  	_ =	shalt  }
0x4b: {  	_ =	shalt  }
0x4c: {  	_ =	shalt  }
0x4d: {  	_ =	shalt  }
0x4e: {  	_ =	shalt  }
0x4f: {  	_ =	shalt  }
0x50: {  	_ =	shalt  }
0x51: {  	_ =	shalt  }
0x52: {  	_ =	shalt  }
0x53: {  	_ =	shalt  }
0x54: {  	_ =	shalt  }
0x55: {  	_ =	shalt  }
0x56: {  	_ =	shalt  }
0x57: {  	_ =	shalt  }
0x58: {  	_ =	shalt  }
0x59: {  	_ =	shalt  }
0x5a: {  	_ =	shalt  }
0x5b: {  	_ =	shalt  }
0x5c: {  	_ =	shalt  }
0x5d: {  	_ =	shalt  }
0x5e: {  	_ =	shalt  }
0x5f: {  	_ =	shalt  }
0x60: {  	_ =	shalt  }
0x61: {  	_ =	shalt  }
0x62: {  	_ =	shalt  }
0x63: {  	_ =	shalt  }
0x64: {  	_ =	shalt  }
0x65: {  	_ =	shalt  }
0x66: {  	_ =	shalt  }
0x67: {  	_ =	shalt  }
0x68: {  	_ =	shalt  }
0x69: {  	_ =	shalt  }
0x6a: {  	_ =	shalt  }
0x6b: {  	_ =	shalt  }
0x6c: {  	_ =	shalt  }
0x6d: {  	_ =	shalt  }
0x6e: {  	_ =	shalt  }
0x6f: {  	_ =	shalt  }
0x70: {  	_ =	shalt  }
0x71: {  	_ =	shalt  }
0x72: {  	_ =	shalt  }
0x73: {  	_ =	shalt  }
0x74: {  	_ =	shalt  }
0x75: {  	_ =	shalt  }
0x76: {  	_ =	shalt  }
0x77: {  	_ =	shalt  }
0x78: {  	_ =	shalt  }
0x79: {  	_ =	shalt  }
0x7a: {  	_ =	shalt  }
0x7b: {  	_ =	shalt  }
0x7c: {  	_ =	shalt  }
0x7d: {  	_ =	shalt  }
0x7e: {  	_ =	shalt  }
0x7f: {  	_ =	shalt  }
0x80: {  	_ =	shalt  }
0x81: {  	_ =	shalt  }
0x82: {  	_ =	shalt  }
0x83: {  	_ =	shalt  }
0x84: {  	_ =	shalt  }
0x85: {  	_ =	shalt  }
0x86: {  	_ =	shalt  }
0x87: {  	_ =	shalt  }
.Lfunc_end0:
.L_simem_size_0:
called_computation_lowered:
.L_overlay_start_0:
0x88: {  	s2 =	sld [smem:$0x3FD9]  }
0x89: {  	s3 =	sld [smem:$0x3FFE];
	_ =	sdelay $0x1  }
0x8a: {  	s1 =	srdreg.scid  }
0x8b: {  	s0 =	sand.u32 $0x1, s1  }
0x8c: {  	s17 =	sshll.u32 s0, $0xA;
	s2 =	sadd.s32 s3, s2  }
0x8d: {  	s2 =	sadd.s32 s2, s17  }
0x8e: {  	[smem:$0x3FAB] =	sst s2  }
0x8f: {  	_ = 	snop  }
0x90: {  	s2 =	sld [smem:$0x3FC9];
	(tm) =	ssettm $0x1  }
0x91: {  	s18 =	sld [smem:$0x3FFB];
	_ =	sdelay $0x3  }
0x92: {  	_ =	strace s18  }
0x93: {  	s3 =	sld [smem:$0x3FFC];
	_ =	sdelay $0x3  }
0x94: {  	_ =	strace s3  }
0x95: {  	s3 =	sld [smem:$0x3FFD];
	_ =	sdelay $0x3  }
0x96: {  	_ =	strace s3  }
0x97: {  	_ =	strace $0x8FFFFFFF  }
0x98: {  	s19 =	sld [smem:$0x3FDB];
	_ =	sdelay $0x1  }
0x99: {  	s4 =	simm.s32 $_scs_section_size  }
0x9a: {  	s5 =	simm.s32 $_size__tile_overlayer_lowered;
	s6 =	simm.s32 $_tile_overlayer_lowered  }
0x9b: {  	s22 =	simm.s32 $0x1BFF;
	s21 =	sshll.u32 s6, $0x1;
	s3 =	sadd.s32 s4, s19  }
0x9c: {  	s7 =	simm.s32 $0x0;
	s20 =	sshll.u32 s5, $0x1;
	s5 =	sadd.s32 s21, s3  }
0x9d: {  	[timem:s7], [sflag:s22] =	dma.local [hbm:s5], s20  }
0x9e: {  	_ =	swait.ge [sflag:s22], s20  }
0x9f: {  	s4 =	ssub.s32 $0x0, s20;
	[sflag:s22] =	ssyncset.done $0x0  }
0xa0: {  	[sflag:s22] =	ssyncadd.s32 s4;
	_ =	sdelay $0x1  }
0xa1: {  	s23 =	simm.s32 $0x1B8B  }
0xa2: {  	_ =	swait.ge [sflag:s23], $0x1  }
0xa3: {  	[sflag:s23] =	ssyncset.done $0x0  }
0xa4: {  	s25 =	simm.s32 $0x1B8E;
	s24 =	sld [smem:$0x3FFE];
	[sflag:s23] =	ssyncadd.s32 $0xFFFFFFFF  }
0xa5: {  	s26 =	simm.s32 $execute0_lowered;
	[smem:$0x3FD2] =	sst s25  }
0xa6: {  	s5 =	sshll.u32 s26, $0x1;
	_ =	strace $0x80000046;
	[dreg:$0x1] =	wrdreg $0xFFFFFFFF  }
0xa7: {  	s28 =	simm.s32 $_size_execute0_lowered;
	s3 =	sadd.s32 s3, s5;
	[dreg:$0x0] =	wrdreg $0x0  }
0xa8: {  	s5 =	sshll.u32 s28, $0x1;
	[dreg:$0x2] =	wrdreg s3  }
0xa9: {  	[dreg:$0x3] =	wrdreg s5  }
0xaa: {  	[dreg:$0x4] =	wrdreg $0xC0  }
0xab: {  	_ =	task [dreg:s7], $0x5FFFF  }
0xac: {  	[dreg:$0x1] =	wrdreg $0xFFFFFFFF  }
0xad: {  	[dreg:$0x0] =	wrdreg $0x60  }
0xae: {  	[dreg:$0x2] =	wrdreg s2  }
0xaf: {  	[dreg:$0x3] =	wrdreg s24  }
0xb0: {  	[dreg:$0x4] =	wrdreg $0x0  }
0xb1: {  	[dreg:$0x5] =	wrdreg $0x9  }
0xb2: {  	_ =	task.clear_ibuf [dreg:s7], $0x6FFFF;
	_ =	strace $0x90000046  }
0xb3: {  	s29 =	simm.s32 $0x9;
	_ =	strace $0x80000048  }
0xb4: {  	_ =	swait.ge [sflag:s29], $0x1  }
0xb5: {  	[sflag:s29] =	ssyncadd.s32 $0xFFFFFFFF  }
0xb6: {  	_ =	strace $0x90000048  }
0xb7: {  	_ =	sfence  }
0xb8: {  	s30 =	sld [smem:$0x0];
	_ =	sdelay $0x2  }
0xb9: {  	s31 =	sshll.u32 s1, $0xD;
	s1 =	sshrl.u32 s1, $0x2  }
0xba: {  	s3 =	sand.u32 $0x4000, s31;
	s1 =	sadd.s32 s1, s30  }
0xbb: {  	s0 =	sor.u32 s3, s0;
	s1 =	sshll.u32 s1, $0x11  }
0xbc: {  	s0 =	sor.u32 s1, s0  }
0xbd: {  	s0 =	sadd.s32 $0x8F2B, s0  }
0xbe: {  	[sflag:s0] =	ssyncadd.remote.s32 $0x1  }
0xbf: {  	_ =	sfence.sel $0xFFFF  }
0xc0: {  	[dreg:$0x0] =	wrdreg $0xFFFFFFFF;
	(pc) =	sbr.abs _section_cstart, $3  }
0xc1: {  	[dreg:$0x1] =	wrdreg $0xFFFFFFFF  }
0xc2: {  	_ =	task.clear_ibuf [dreg:s7], $0x2FFFF;
	_ =	strace $0x9FFFFFFF  }
0xc3: {  	(tm) =	ssettm $0x7FFFFFFF  }
tec
execute0_lowered:
.L_overlay_start_1:
0x0: {  	(tag) =	ssettag $0x1  }
0x1: {  	s1 =	rddreg [dreg:$0x0]  }
0x2: {  	s0 =	srdreg.scid;
	s13 =	stileid.u32  }
0x3: {  	s2 =	rddreg [dreg:$0x1];
	s5 =	smul.u32 $0x4E20, s13  }
0x4: {  	s3 =	rddreg [dreg:$0x2];
	s14 =	smul.u32 $0x4E200, s13  }
0x5: {  	s4 =	simm.s32 $0x0;
	s28 =	simm.s32 $0x13880;
	s9 =	smul.u32 $0x4E000, s13  }
0x6: {  	s29 =	simm.s32 $0x50;
	s0 =	sand.u32 $0x1, s0;
	s25 =	smul.u32 $0x13800, s13  }
0x7: {  	s30 =	simm.s32 $0x13900;
	s31 =	simm.s32 $0x1;
	s6 =	smul.u32 $0x2710, s0  }
0x8: {  	[smem:$0x7FF] =	sst s4;
	p0 =	sne.s32 s13, $0xF;
	s7 =	smul.u32 $0x138800, s0  }
0x9: {  	_ =	strace $0x80000047;
	s15 =	ssub.s32 $0x2, s0;
	s0 =	smul.u32 $0x27100, s0  }
0xa: {  	s10 =	sadd.s32 s14, s2;
	s16 =	sshrl.u32 s15, $0x1;
	s9 =	sshrl.u32 s9, $0x2  }
0xb: {  	s5 =	sadd.s32 s6, s5;
	s11 =	ssub.s32 s15, s16;
	s17 =	sshrl.u32 s7, $0x3  }
0xc: {  	s6 =	sadd.s32 s9, s3;
	s0 =	sadd.s32 s0, s10;
	s7 =	sadd.s32 s25, s7  }
0xd: {  	s25 =	simm.s32 $0x18980;
	s5 =	sshrl.u32 s5, $0x3;
	s19 =	smax.u32 s11, $0x1  }
0xe: {  	s20 =	sadd.s32 $0x1800, s6;
	s21 =	sadd.s32 $0x3000, s6;
	s22 =	sadd.s32 $0x4800, s6  }
0xf: {  	s23 =	sadd.s32 $0x6000, s6;
	s24 =	sadd.s32 $0x7800, s6;
	[dreg:$0x5] =	wrdreg s19  }
0x10: {  	s14 =	sadd.s32 $0x9000, s6;
	s15 =	sadd.s32 $0xA800, s6;
	[dreg:$0x6] =	wrdreg s20  }
0x11: {  	s16 =	sadd.s32 $0xC000, s6;
	s26 =	sshrl.u32 s7, $0x3;
	[dreg:$0x7] =	wrdreg s21  }
0x12: {  	s7 =	simm.s32 $0x0;
	s8 =	sadd.s32 s5, s2;
	[dreg:$0x8] =	wrdreg s22  }
0x13: {  	s2 =	sadd.s32 $0x4FAE00, s2;
	s5 =	sadd.s32 $0x138000, s3;
	[dreg:$0x9] =	wrdreg s23  }
0x14: {  	[dreg:$0xa] =	wrdreg s24;
	s19 =	sadd.s32 $0x10800, s6;
	s20 =	sadd.s32 $0x12000, s6  }
0x15: {  	s21 =	sadd.s32 $0x18E00, s0;
	s0 =	simm.s32 $0x16180;
	s12 =	sadd.s32 s2, s17  }
0x16: {  	s17 =	sadd.s32 $0xD800, s6;
	s22 =	sadd.s32 $0xF000, s8;
	s23 =	sadd.s32 $0x5200, s8  }
0x17: {  	s24 =	sadd.s32 s26, s2;
	s26 =	simm.s32 $0x2;
	s18 =	sadd.s32 $0x27000, s12  }
0x18: {  	v0 =	vimm.f32 $1.000000000e+00;
	v1 =	vimm.f32 $0.0e+00;
	s2 =	simm.s32 $0x16100;
	[dreg:$0x4] =	wrdreg s18;
	s18 =	sadd.s32 $0xF000, s6  }
.LBB2_1:
0x19: {  	s8 =	simm.s32 $0x0;
	s9 =	simm.s32 $0x0  }
.LBB2_2:
0x1a: {  	p1 =	sne.s32 s9, $0x9FC0  }
.Ltmp0:
0x1b: {  	_ = 	snop;
	(pc) =	sbr.rel @p1 .LBB2_2-.Ltmp0, $4  }
0x1c: {  	s10 =	sand.u32 $0xFE00, s9  }
0x1d: {  	s11 =	sand.u32 $0x70, s8;
	s10 =	sshrl.u32 s10, $0x2  }
0x1e: {  	s10 =	sor.u32 s11, s10  }
0x1f: {  	s8 =	sadd.s32 $0x10, s8;
	s9 =	sadd.s32 $0x40, s9;
	[tilespmem:s10+$0x16180] =	vst v0  }
0x20: {  	s8 =	simm.s32 $0x0  }
0x21: {  	s9 =	sand.u32 $0x7E00, s8  }
0x22: {  	s10 =	sand.u32 $0x70, s8;
	s11 =	sshrl.u32 s9, $0x2  }
0x23: {  	s9 =	simm.s32 $0x40;
	s10 =	sor.u32 s10, s11  }
.LBB2_4:
0x24: {  	p1 =	sne.s32 s9, $0x5FC0  }
0x25: {  	[tilespmem:s10+$0x18980] =	vst v1;
	s8 =	sadd.s32 $0x10, s8;
	s10 =	smov.u32 s9;
	s9 =	sadd.s32 $0x40, s9  }
.Ltmp1:
0x26: {  	(pc) =	sbr.rel @p1 .LBB2_4-.Ltmp1, $4  }
0x27: {  	_ = 	snop  }
0x28: {  	s10 =	sand.u32 $0x7E00, s10  }
0x29: {  	s11 =	sand.u32 $0x70, s8;
	s10 =	sshrl.u32 s10, $0x2  }
0x2a: {  	s10 =	sor.u32 s11, s10  }
0x2b: {  	[tilespmem:s10+$0x18980] =	vst v1  }
0x2c: {  	[spmem:s6] =	stream.linear.scatter [tilespmem:s25], [sflag:$0x2], $0x1800, $0x38;
	[tilespmem:$0x1A180] =	vst v63  }
0x2d: {  	_ =	swait.ge [sflag:s26], $0x1800  }
0x2e: {  	[sflag:s26] =	ssyncset.done $0x0  }
0x2f: {  	s8 =	rddreg [dreg:$0x6];
	[sflag:s26] =	ssyncadd.s32 $0xFFFFE800  }
0x30: {  	[spmem:s8] =	stream.linear.scatter [tilespmem:s25], [sflag:$0x2], $0x1800, $0x38;
	[tilespmem:$0x1A180] =	vst v63  }
0x31: {  	_ =	swait.ge [sflag:s26], $0x1800  }
0x32: {  	[sflag:s26] =	ssyncset.done $0x0  }
0x33: {  	s13 =	rddreg [dreg:$0x7];
	[sflag:s26] =	ssyncadd.s32 $0xFFFFE800  }
0x34: {  	[spmem:s13] =	stream.linear.scatter [tilespmem:s25], [sflag:$0x2], $0x1800, $0x38;
	[tilespmem:$0x1A180] =	vst v63  }
0x35: {  	_ =	swait.ge [sflag:s26], $0x1800  }
0x36: {  	[sflag:s26] =	ssyncset.done $0x0  }
0x37: {  	s9 =	rddreg [dreg:$0x8];
	[sflag:s26] =	ssyncadd.s32 $0xFFFFE800  }
0x38: {  	[spmem:s9] =	stream.linear.scatter [tilespmem:s25], [sflag:$0x2], $0x1800, $0x38;
	[tilespmem:$0x1A180] =	vst v63  }
0x39: {  	_ =	swait.ge [sflag:s26], $0x1800  }
0x3a: {  	[sflag:s26] =	ssyncset.done $0x0  }
0x3b: {  	s10 =	rddreg [dreg:$0x9];
	[sflag:s26] =	ssyncadd.s32 $0xFFFFE800  }
0x3c: {  	[spmem:s10] =	stream.linear.scatter [tilespmem:s25], [sflag:$0x2], $0x1800, $0x38;
	[tilespmem:$0x1A180] =	vst v63  }
0x3d: {  	_ =	swait.ge [sflag:s26], $0x1800  }
0x3e: {  	[sflag:s26] =	ssyncset.done $0x0  }
0x3f: {  	s11 =	rddreg [dreg:$0xa];
	[sflag:s26] =	ssyncadd.s32 $0xFFFFE800  }
0x40: {  	[spmem:s11] =	stream.linear.scatter [tilespmem:s25], [sflag:$0x2], $0x1800, $0x38;
	[tilespmem:$0x1A180] =	vst v63  }
0x41: {  	_ =	swait.ge [sflag:s26], $0x1800  }
0x42: {  	[sflag:s26] =	ssyncset.done $0x0  }
0x43: {  	[sflag:s26] =	ssyncadd.s32 $0xFFFFE800  }
0x44: {  	[spmem:s14] =	stream.linear.scatter [tilespmem:s25], [sflag:$0x2], $0x1800, $0x38;
	[tilespmem:$0x1A180] =	vst v63  }
0x45: {  	_ =	swait.ge [sflag:s26], $0x1800  }
0x46: {  	[sflag:s26] =	ssyncset.done $0x0  }
0x47: {  	[sflag:s26] =	ssyncadd.s32 $0xFFFFE800  }
0x48: {  	[spmem:s15] =	stream.linear.scatter [tilespmem:s25], [sflag:$0x2], $0x1800, $0x38;
	[tilespmem:$0x1A180] =	vst v63  }
0x49: {  	_ =	swait.ge [sflag:s26], $0x1800  }
0x4a: {  	[sflag:s26] =	ssyncset.done $0x0  }
0x4b: {  	[sflag:s26] =	ssyncadd.s32 $0xFFFFE800  }
0x4c: {  	[spmem:s16] =	stream.linear.scatter [tilespmem:s25], [sflag:$0x2], $0x1800, $0x38;
	[tilespmem:$0x1A180] =	vst v63  }
0x4d: {  	_ =	swait.ge [sflag:s26], $0x1800  }
0x4e: {  	[sflag:s26] =	ssyncset.done $0x0  }
0x4f: {  	[sflag:s26] =	ssyncadd.s32 $0xFFFFE800  }
0x50: {  	[spmem:s17] =	stream.linear.scatter [tilespmem:s25], [sflag:$0x2], $0x1800, $0x38;
	[tilespmem:$0x1A180] =	vst v63  }
0x51: {  	_ =	swait.ge [sflag:s26], $0x1800  }
0x52: {  	[sflag:s26] =	ssyncset.done $0x0  }
0x53: {  	[sflag:s26] =	ssyncadd.s32 $0xFFFFE800  }
0x54: {  	[spmem:s18] =	stream.linear.scatter [tilespmem:s25], [sflag:$0x2], $0x1800, $0x38;
	[tilespmem:$0x1A180] =	vst v63  }
0x55: {  	_ =	swait.ge [sflag:s26], $0x1800  }
0x56: {  	[sflag:s26] =	ssyncset.done $0x0  }
0x57: {  	[sflag:s26] =	ssyncadd.s32 $0xFFFFE800  }
0x58: {  	[spmem:s19] =	stream.linear.scatter [tilespmem:s25], [sflag:$0x2], $0x1800, $0x38;
	[tilespmem:$0x1A180] =	vst v63  }
0x59: {  	_ =	swait.ge [sflag:s26], $0x1800  }
0x5a: {  	[sflag:s26] =	ssyncset.done $0x0  }
0x5b: {  	[sflag:s26] =	ssyncadd.s32 $0xFFFFE800  }
0x5c: {  	[spmem:s20] =	stream.linear.scatter [tilespmem:s25], [sflag:$0x2], $0x1800, $0x38;
	[tilespmem:$0x1A180] =	vst v63  }
0x5d: {  	_ =	swait.ge [sflag:s26], $0x1800  }
0x5e: {  	[sflag:s26] =	ssyncset.done $0x0  }
0x5f: {  	s8 =	simm.s32 @!p0 $0x18980;
	[sflag:s26] =	ssyncadd.s32 $0xFFFFE800  }
0x60: {  	[spmem:s5] =	stream.linear.scatter @!p0 [tilespmem:s8], [sflag:$0x2], $0x800, $0x38;
	[tilespmem:$0x1A180] =	vst v63  }
0x61: {  	s8 =	simm.s32 @!p0 $0x2  }
0x62: {  	_ =	swait.ge @!p0 [sflag:s8], $0x800  }
0x63: {  	[sflag:s8] =	ssyncset.done @!p0 $0x0  }
0x64: {  	[sflag:s8] =	ssyncadd.s32 @!p0 $0xFFFFF800  }
0x65: {  	s12 =	sadd.s32 $0x0, s23;
	[bflag:$0x0] =	sbarrier.arrive $0xFFFF  }
0x66: {  	[tilespmem:s28], [sflag:$0x2] =	stream.linear.gather [hbm4b:s12+s4], $0x50, $0x38;
	[tilespmem:$0x1A180] =	vst v63  }
0x67: {  	_ =	swait.ge [sflag:s26], $0x50  }
0x68: {  	[sflag:s26] =	ssyncset.done $0x0  }
0x69: {  	[sflag:s26] =	ssyncadd.s32 $0xFFFFFFB0  }
0x6a: {  	[tilespmem:s30], [sflag:$0x1] =	stream.indirect.gather [hbm4b:s1+s29], $0x80, s28, s29, $0xb8;
	[tilespmem:$0x1A180] =	vst v63  }
0x6b: {  	_ =	swait.ge [sflag:s31], $0x2800  }
0x6c: {  	[sflag:s31] =	ssyncset.done $0x0  }
0x6d: {  	[sflag:s31] =	ssyncadd.s32 $0xFFFFD800  }
0x6e: {  	[hbm4b:s21+s4] =	stream.linear.scatter [tilespmem:s30], [sflag:$0x2], $0x2800, $0x38;
	[tilespmem:$0x1A180] =	vst v63  }
0x6f: {  	_ =	swait.ge [sflag:s26], $0x2800  }
0x70: {  	[sflag:s26] =	ssyncset.done $0x0  }
0x71: {  	s13 =	sadd.s32 $0x0, s22;
	[sflag:s26] =	ssyncadd.s32 $0xFFFFD800  }
0x72: {  	[tilespmem:s2], [sflag:$0x2] =	stream.linear.gather [hbm4b:s13+s4], $0x50, $0x38;
	[tilespmem:$0x1A180] =	vst v63  }
0x73: {  	_ =	swait.ge [sflag:s26], $0x50  }
0x74: {  	[sflag:s26] =	ssyncset.done $0x0  }
0x75: {  	[sflag:s26] =	ssyncadd.s32 $0xFFFFFFB0  }
0x76: {  	[spmem:s3] =	stream.indirect.scatter.add.f32 [tilespmem:s0], [sflag:$0x2], $0x80, s2, s29, $0xb8;
	[tilespmem:$0x1A180] =	vst v63  }
0x77: {  	s9 =	sadd.s32 $0x500, s21;
	_ =	swait.ge [sflag:s26], $0x2800  }
0x78: {  	s10 =	simm.s32 $0x14;
	s8 =	simm.s32 $0xA;
	[sflag:s26] =	ssyncset.done $0x0  }
.LBB2_6:
0x79: {  	s11 =	sadd.s32 s8, s23  }
0x7a: {  	[sflag:s26] =	ssyncadd.s32 $0xFFFFD800;
	s12 =	smov.u32 s10;
	s13 =	sadd.s32 $0xA, s10  }
0x7b: {  	[tilespmem:s28], [sflag:$0x2] =	stream.linear.gather [hbm4b:s11+s4], $0x50, $0x38;
	[tilespmem:$0x1A180] =	vst v63  }
0x7c: {  	p1 =	sne.s32 s10, $0x4D8;
	_ =	swait.ge [sflag:s26], $0x50  }
0x7d: {  	[sflag:s26] =	ssyncset.done $0x0  }
0x7e: {  	[sflag:s26] =	ssyncadd.s32 $0xFFFFFFB0  }
0x7f: {  	[tilespmem:s30], [sflag:$0x1] =	stream.indirect.gather [hbm4b:s1+s29], $0x80, s28, s29, $0xb8;
	[tilespmem:$0x1A180] =	vst v63  }
0x80: {  	_ =	swait.ge [sflag:s31], $0x2800  }
0x81: {  	[sflag:s31] =	ssyncset.done $0x0  }
0x82: {  	[sflag:s31] =	ssyncadd.s32 $0xFFFFD800  }
0x83: {  	[hbm4b:s9+s4] =	stream.linear.scatter [tilespmem:s30], [sflag:$0x2], $0x2800, $0x38;
	[tilespmem:$0x1A180] =	vst v63  }
0x84: {  	_ =	swait.ge [sflag:s26], $0x2800  }
0x85: {  	[sflag:s26] =	ssyncset.done $0x0  }
0x86: {  	s10 =	sadd.s32 s8, s22;
	s8 =	smov.u32 s12;
	[sflag:s26] =	ssyncadd.s32 $0xFFFFD800  }
0x87: {  	[tilespmem:s2], [sflag:$0x2] =	stream.linear.gather [hbm4b:s10+s4], $0x50, $0x38;
	[tilespmem:$0x1A180] =	vst v63  }
0x88: {  	_ =	swait.ge [sflag:s26], $0x50  }
.Ltmp2:
0x89: {  	[sflag:s26] =	ssyncset.done $0x0;
	(pc) =	sbr.rel @p1 .LBB2_6-.Ltmp2, $4  }
0x8a: {  	[sflag:s26] =	ssyncadd.s32 $0xFFFFFFB0  }
0x8b: {  	[spmem:s3] =	stream.indirect.scatter.add.f32 [tilespmem:s0], [sflag:$0x2], $0x80, s2, s29, $0xb8;
	[tilespmem:$0x1A180] =	vst v63  }
0x8c: {  	_ =	swait.ge [sflag:s26], $0x2800  }
0x8d: {  	s9 =	sadd.s32 $0x500, s9;
	s10 =	smov.u32 s13;
	[sflag:s26] =	ssyncset.done $0x0  }
0x8e: {  	s10 =	sadd.s32 s8, s23;
	[sflag:s26] =	ssyncadd.s32 $0xFFFFD800  }
0x8f: {  	[tilespmem:s28], [sflag:$0x2] =	stream.linear.gather [hbm4b:s10+s4], $0x50, $0x38;
	[tilespmem:$0x1A180] =	vst v63  }
0x90: {  	_ =	swait.ge [sflag:s26], $0x50  }
0x91: {  	[sflag:s26] =	ssyncset.done $0x0  }
0x92: {  	[sflag:s26] =	ssyncadd.s32 $0xFFFFFFB0  }
0x93: {  	[tilespmem:s30], [sflag:$0x1] =	stream.indirect.gather [hbm4b:s1+s29], $0x80, s28, s29, $0xb8;
	[tilespmem:$0x1A180] =	vst v63  }
0x94: {  	_ =	swait.ge [sflag:s31], $0x2800  }
0x95: {  	[sflag:s31] =	ssyncset.done $0x0  }
0x96: {  	[sflag:s31] =	ssyncadd.s32 $0xFFFFD800  }
0x97: {  	[hbm4b:s9+s4] =	stream.linear.scatter [tilespmem:s30], [sflag:$0x2], $0x2800, $0x38;
	[tilespmem:$0x1A180] =	vst v63  }
0x98: {  	_ =	swait.ge [sflag:s26], $0x2800  }
0x99: {  	[sflag:s26] =	ssyncset.done $0x0  }
0x9a: {  	s12 =	sadd.s32 s8, s22;
	[sflag:s26] =	ssyncadd.s32 $0xFFFFD800  }
0x9b: {  	[tilespmem:s2], [sflag:$0x2] =	stream.linear.gather [hbm4b:s12+s4], $0x50, $0x38;
	[tilespmem:$0x1A180] =	vst v63  }
0x9c: {  	_ =	swait.ge [sflag:s26], $0x50  }
0x9d: {  	[sflag:s26] =	ssyncset.done $0x0  }
0x9e: {  	[sflag:s26] =	ssyncadd.s32 $0xFFFFFFB0  }
0x9f: {  	[spmem:s3] =	stream.indirect.scatter.add.f32 [tilespmem:s0], [sflag:$0x2], $0x80, s2, s29, $0xb8;
	[tilespmem:$0x1A180] =	vst v63  }
0xa0: {  	_ =	swait.ge [sflag:s26], $0x2800  }
0xa1: {  	[sflag:s26] =	ssyncset.done $0x0  }
0xa2: {  	[sflag:s26] =	ssyncadd.s32 $0xFFFFD800  }
0xa3: {  	[bflag:$0x0] =	sbarrier.arrive $0xFFFF  }
0xa4: {  	[tilespmem:s25], [sflag:$0x2] =	stream.linear.gather [spmem:s6], $0x1800, $0x38;
	[tilespmem:$0x1A180] =	vst v63  }
0xa5: {  	_ =	swait.ge [sflag:s26], $0x1800  }
0xa6: {  	[sflag:s26] =	ssyncset.done $0x0  }
0xa7: {  	s13 =	sadd.s32 $0x0, s24;
	[sflag:s26] =	ssyncadd.s32 $0xFFFFE800  }
0xa8: {  	[hbm4b:s13+s4] =	stream.linear.scatter [tilespmem:s25], [sflag:$0x2], $0x1800, $0x38;
	[tilespmem:$0x1A180] =	vst v63  }
0xa9: {  	_ =	swait.ge [sflag:s26], $0x1800  }
0xaa: {  	s8 =	simm.s32 $0x300;
	s9 =	smov.u32 s6;
	[sflag:s26] =	ssyncset.done $0x0  }
.LBB2_8:
0xab: {  	p1 =	sne.s32 s8, $0x2400;
	[sflag:s26] =	ssyncadd.s32 $0xFFFFE800;
	s9 =	sadd.s32 $0x1800, s9  }
0xac: {  	[tilespmem:s25], [sflag:$0x2] =	stream.linear.gather [spmem:s9], $0x1800, $0x38;
	[tilespmem:$0x1A180] =	vst v63  }
0xad: {  	s10 =	smov.u32 s8;
	s8 =	sadd.s32 $0x300, s8;
	_ =	swait.ge [sflag:s26], $0x1800  }
.Ltmp3:
0xae: {  	[sflag:s26] =	ssyncset.done $0x0;
	(pc) =	sbr.rel @p1 .LBB2_8-.Ltmp3, $4  }
0xaf: {  	s10 =	sadd.s32 s10, s24;
	[sflag:s26] =	ssyncadd.s32 $0xFFFFE800  }
0xb0: {  	[hbm4b:s10+s4] =	stream.linear.scatter [tilespmem:s25], [sflag:$0x2], $0x1800, $0x38;
	[tilespmem:$0x1A180] =	vst v63  }
0xb1: {  	_ =	swait.ge [sflag:s26], $0x1800  }
0xb2: {  	[sflag:s26] =	ssyncset.done $0x0  }
0xb3: {  	[sflag:s26] =	ssyncadd.s32 $0xFFFFE800;
	s8 =	simm.s32 @!p0 $0x18980;
	s9 =	simm.s32 @!p0 $0x2  }
0xb4: {  	[tilespmem:s8], [sflag:$0x2] =	stream.linear.gather @!p0 [spmem:s5], $0x800, $0x38;
	[tilespmem:$0x1A180] =	vst v63  }
0xb5: {  	_ =	swait.ge @!p0 [sflag:s9], $0x800  }
0xb6: {  	[sflag:s9] =	ssyncset.done @!p0 $0x0  }
0xb7: {  	s10 =	simm.s32 @!p0 $0x0;
	s11 =	rddreg [dreg:$0x4];
	[sflag:s9] =	ssyncadd.s32 @!p0 $0xFFFFF800  }
0xb8: {  	[hbm4b:s11+s10] =	stream.linear.scatter @!p0 [tilespmem:s8], [sflag:$0x2], $0x800, $0x38;
	[tilespmem:$0x1A180] =	vst v63  }
0xb9: {  	_ =	swait.ge @!p0 [sflag:s9], $0x800  }
0xba: {  	s7 =	sadd.s32 $0x1, s7;
	s13 =	rddreg [dreg:$0x5]  }
0xbb: {  	p1 =	sne.s32 s7, s13  }
.Ltmp4:
0xbc: {  	_ = 	snop;
	(pc) =	sbr.rel @p1 .LBB2_1-.Ltmp4, $3  }
0xbd: {  	_ =	sdelay $0x1  }
0xbe: {  	[sflag:s9] =	ssyncset.done @!p0 $0x0  }
0xbf: {  	[sflag:s9] =	ssyncadd.s32 @!p0 $0xFFFFF800  }
0xc0: {  	_ =	sfence.sel $0x180000  }
0xc1: {  	[bflag:$0x0] =	sbarrier.arrive $0xFFFF  }
0xc2: {  	_ =	strace $0x90000047  }
0xc3: {  	s0 =	stileid.u32;
	[bflag:$0x2] =	sbarrier.arrive $0xFFFF  }
0xc4: {  	p0 =	sne.s32 s0, $0x0;
	s0 =	rddreg [dreg:$0x3]  }
0xc5: {  	s0 =	sadd.s32 @!p0 $0x100000, s0  }
0xc6: {  	[sflag:s0] =	ssyncadd.tile.s32 @!p0 $0x1;
	_ =	shalt  }
.Lfunc_end2:
_tile_overlayer_lowered:
.L_overlay_start_2:
0xc7: {  	(tag) =	ssettag $0x2  }
0xc8: {  	s0 =	rddreg [dreg:$0x0];
	s2 =	stileid.u32  }
0xc9: {  	s1 =	rddreg [dreg:$0x1];
	p0 =	sne.s32 s2, $0x0  }
0xca: {  	s3 =	rddreg [dreg:$0x2];
	[bflag:$0x3] =	sbarrier.arrive $0xFFFF;
	s2 =	simm.s32 @!p0 $0x1C02  }
0xcb: {  	[timem:s3], [sflag:s2] =	dma.local @!p0 [hbm:s0], s1  }
0xcc: {  	s0 =	simm.s32 @!p0 $0x2  }
0xcd: {  	_ =	swait.ge @!p0 [sflag:s0], s1  }
0xce: {  	s1 =	ssub.s32 @!p0 $0x0, s1;
	[sflag:s0] =	ssyncset.done @!p0 $0x0  }
0xcf: {  	[sflag:s0] =	ssyncadd.s32 @!p0 s1  }
0xd0: {  	[bflag:$0x3] =	sbarrier.arrive $0xFFFF  }
0xd1: {  	_ =	shalt  }

// kernel: kernel.9.cloned.1.call-start
scs
__scs_entry_jumppad:
0x0: {  	(pc) =	sbr.rel $0x88, $3  }
0x1: {  	(tag) =	ssettag $0x0;
	lr =	simm.s32 $0x1  }
0x2: {  	[smem:$0x3F84] =	sst lr;
	_ =	strace $0xD0000000  }
0x3: {  	_ = 	snop  }
0x4: {  	_ = 	snop  }
0x5: {  	_ = 	snop  }
0x6: {  	_ = 	snop  }
0x7: {  	_ = 	snop  }
__scs_overlays_trampoline_lowered:
0x8: {  	[smem:$0x3F93] =	sst s0  }
0x9: {  	[smem:$0x3F94] =	sst s1  }
0xa: {  	[smem:$0x3F95] =	sst s2  }
0xb: {  	[smem:$0x3F96] =	sst s3  }
0xc: {  	[smem:$0x3F97] =	sst s4  }
0xd: {  	[smem:$0x3F98] =	sst s5  }
0xe: {  	[smem:$0x3F99] =	sst s6  }
0xf: {  	[smem:$0x3F9A] =	sst s7  }
0x10: {  	[smem:$0x3F9B] =	sst s8  }
0x11: {  	[smem:$0x3F9C] =	sst s9;
	s0 =	simm.s32 @!p0 $0x0  }
0x12: {  	s1 =	sld [smem:$0x3F82];
	s0 =	simm.s32 @p0 $0x1  }
0x13: {  	[smem:$0x3F9D] =	sst s0;
	s0 =	simm.s32 @!p1 $0x0  }
0x14: {  	s2 =	sld [smem:$0x3F81];
	s0 =	simm.s32 @p1 $0x1  }
0x15: {  	[smem:$0x3F9E] =	sst s0;
	s0 =	simm.s32 @!p2 $0x0  }
0x16: {  	s3 =	sld [smem:$0x3FDB];
	s0 =	simm.s32 @p2 $0x1  }
0x17: {  	s4 =	simm.s32 $0x1BF5;
	[smem:$0x3FA0] =	sst s0  }
0x18: {  	s0 =	sld [smem:$0x3F83];
	_ =	swait.ge [sflag:s4], $0x0  }
0x19: {  	s7 =	sld [smem:$0x3F84]  }
0x1a: {  	s8 =	sadd.s32 $0xFFFFE003, lr  }
0x1b: {  	s9 =	sadd.s32 $0xFFFFFEF7, lr;
	s5 =	simm.s32 $0xFFFFFFFF;
	p2 =	slt.u32 s8, $0xFFFFF086  }
0x1c: {  	p1 =	slt.u32 s9, $0xF7A;
	s5 =	simm.s32 @!p2 $0x0  }
0x1d: {  	s5 =	simm.s32 @p1 $0x1;
	p0 =	seq.s32 s7, s2  }
0x1e: {  	s7 =	smul.u32 @!p0 $0xF7A, s2;
	p2 =	seq.s32 @!p0 s5, $0x0  }
0x1f: {  	s9 =	smul.u32 $0xF7A, s1;
	s8 =	simm.s32 @!p0 $0x1BF5;
	p2 =	por !p2, p0  }
0x20: {  	[sflag:s8] =	ssyncset.s32 @!p0 $0xFFFFF086;
	s6 =	sadd.s32 @!p0 s3, s7;
	s7 =	simm.s32 @!p0 $0x108  }
0x21: {  	s3 =	sadd.s32 s3, s9;
	s6 =	sadd.s32 @!p0 $0x88, s6;
	s7 =	simm.s32 @p2 $0x1082  }
0x22: {  	[simem:s7], [sflag:s8] =	dma.local @!p0 [hbm:s6], $0xF7A  }
0x23: {  	s9 =	sor.u32 $0xD0000000, s2;
	s6 =	simm.s32 $0x108;
	_ =	swait.ge @!p0 [sflag:s8], $0x0  }
0x24: {  	s3 =	sadd.s32 $0x88, s3;
	s6 =	simm.s32 @!p1 $0x1082;
	[sflag:s4] =	ssyncset.s32 $0xFFFFF086  }
0x25: {  	[simem:s6], [sflag:s4] =	dma.local [hbm:s3], $0xF7A  }
0x26: {  	[smem:$0x3F84] =	sst s1;
	(tag) =	ssettag s2;
	_ =	strace s9  }
0x27: {  	s1 =	sld [smem:$0x3F94]  }
0x28: {  	s2 =	sld [smem:$0x3F95]  }
0x29: {  	s4 =	sld [smem:$0x3F97]  }
0x2a: {  	p0 =	seq.s32 s5, $0x0;
	s5 =	sld [smem:$0x3F98]  }
0x2b: {  	s6 =	sld [smem:$0x3F99]  }
0x2c: {  	s7 =	sld [smem:$0x3F9A]  }
0x2d: {  	s3 =	simm.s32 $0x108;
	s8 =	sld [smem:$0x3F9B]  }
0x2e: {  	s3 =	simm.s32 @!p0 $0x1082;
	s9 =	sld [smem:$0x3F9C]  }
0x2f: {  	lr =	sadd.s32 s0, s3;
	s0 =	sld [smem:$0x3F93]  }
0x30: {  	s3 =	sld [smem:$0x3F96]  }
0x31: {  	[smem:$0x3F9F] =	sst s10  }
0x32: {  	s10 =	sld [smem:$0x3F9D];
	_ =	sdelay $0x3  }
0x33: {  	p0 =	seq.s32 s10, $0x1;
	s10 =	sld [smem:$0x3F9F];
	_ =	sdelay $0x3  }
0x34: {  	[smem:$0x3F9F] =	sst s10  }
0x35: {  	s10 =	sld [smem:$0x3F9E];
	_ =	sdelay $0x3  }
0x36: {  	p1 =	seq.s32 s10, $0x1;
	s10 =	sld [smem:$0x3F9F];
	_ =	sdelay $0x3  }
0x37: {  	[smem:$0x3F9F] =	sst s10  }
0x38: {  	s10 =	sld [smem:$0x3FA0]  }
0x39: {  	_ = 	snop;
	(pc) =	sbr.ind lr, $3  }
0x3a: {  	_ = 	snop  }
0x3b: {  	_ = 	snop  }
0x3c: {  	p2 =	seq.s32 s10, $0x1;
	s10 =	sld [smem:$0x3F9F]  }
0x3d: {  	_ =	shalt  }
0x3e: {  	_ =	shalt  }
0x3f: {  	_ =	shalt  }
0x40: {  	_ =	shalt  }
0x41: {  	_ =	shalt  }
0x42: {  	_ =	shalt  }
0x43: {  	_ =	shalt  }
0x44: {  	_ =	shalt  }
0x45: {  	_ =	shalt  }
0x46: {  	_ =	shalt  }
0x47: {  	_ =	shalt  }
0x48: {  	_ =	shalt  }
0x49: {  	_ =	shalt  }
0x4a: {  	_ =	shalt  }
0x4b: {  	_ =	shalt  }
0x4c: {  	_ =	shalt  }
0x4d: {  	_ =	shalt  }
0x4e: {  	_ =	shalt  }
0x4f: {  	_ =	shalt  }
0x50: {  	_ =	shalt  }
0x51: {  	_ =	shalt  }
0x52: {  	_ =	shalt  }
0x53: {  	_ =	shalt  }
0x54: {  	_ =	shalt  }
0x55: {  	_ =	shalt  }
0x56: {  	_ =	shalt  }
0x57: {  	_ =	shalt  }
0x58: {  	_ =	shalt  }
0x59: {  	_ =	shalt  }
0x5a: {  	_ =	shalt  }
0x5b: {  	_ =	shalt  }
0x5c: {  	_ =	shalt  }
0x5d: {  	_ =	shalt  }
0x5e: {  	_ =	shalt  }
0x5f: {  	_ =	shalt  }
0x60: {  	_ =	shalt  }
0x61: {  	_ =	shalt  }
0x62: {  	_ =	shalt  }
0x63: {  	_ =	shalt  }
0x64: {  	_ =	shalt  }
0x65: {  	_ =	shalt  }
0x66: {  	_ =	shalt  }
0x67: {  	_ =	shalt  }
0x68: {  	_ =	shalt  }
0x69: {  	_ =	shalt  }
0x6a: {  	_ =	shalt  }
0x6b: {  	_ =	shalt  }
0x6c: {  	_ =	shalt  }
0x6d: {  	_ =	shalt  }
0x6e: {  	_ =	shalt  }
0x6f: {  	_ =	shalt  }
0x70: {  	_ =	shalt  }
0x71: {  	_ =	shalt  }
0x72: {  	_ =	shalt  }
0x73: {  	_ =	shalt  }
0x74: {  	_ =	shalt  }
0x75: {  	_ =	shalt  }
0x76: {  	_ =	shalt  }
0x77: {  	_ =	shalt  }
0x78: {  	_ =	shalt  }
0x79: {  	_ =	shalt  }
0x7a: {  	_ =	shalt  }
0x7b: {  	_ =	shalt  }
0x7c: {  	_ =	shalt  }
0x7d: {  	_ =	shalt  }
0x7e: {  	_ =	shalt  }
0x7f: {  	_ =	shalt  }
0x80: {  	_ =	shalt  }
0x81: {  	_ =	shalt  }
0x82: {  	_ =	shalt  }
0x83: {  	_ =	shalt  }
0x84: {  	_ =	shalt  }
0x85: {  	_ =	shalt  }
0x86: {  	_ =	shalt  }
0x87: {  	_ =	shalt  }
.Lfunc_end0:
.L_simem_size_0:
called_computation.1_lowered:
.L_overlay_start_0:
0x88: {  	s2 =	sld [smem:$0x3FD9]  }
0x89: {  	s3 =	sld [smem:$0x3FFE];
	_ =	sdelay $0x1  }
0x8a: {  	s1 =	srdreg.scid  }
0x8b: {  	s0 =	sand.u32 $0x1, s1  }
0x8c: {  	s16 =	sshll.u32 s0, $0xA;
	s2 =	sadd.s32 s3, s2  }
0x8d: {  	s2 =	sadd.s32 s2, s16  }
0x8e: {  	[smem:$0x3FAB] =	sst s2  }
0x8f: {  	_ = 	snop  }
0x90: {  	(tm) =	ssettm $0x1  }
0x91: {  	s17 =	sld [smem:$0x3FFB];
	_ =	sdelay $0x3  }
0x92: {  	_ =	strace s17  }
0x93: {  	s2 =	sld [smem:$0x3FFC];
	_ =	sdelay $0x3  }
0x94: {  	_ =	strace s2  }
0x95: {  	s2 =	sld [smem:$0x3FFD];
	_ =	sdelay $0x3  }
0x96: {  	_ =	strace s2  }
0x97: {  	_ =	strace $0x8FFFFFFF  }
0x98: {  	s18 =	sld [smem:$0x3FDB];
	_ =	sdelay $0x1  }
0x99: {  	s19 =	simm.s32 $_scs_section_size  }
0x9a: {  	s4 =	simm.s32 $_size__tile_overlayer_lowered;
	s5 =	simm.s32 $_tile_overlayer_lowered  }
0x9b: {  	s22 =	simm.s32 $0x1BFF;
	s21 =	sshll.u32 s5, $0x1;
	s2 =	sadd.s32 s19, s18  }
0x9c: {  	s6 =	simm.s32 $0x0;
	s20 =	sshll.u32 s4, $0x1;
	s4 =	sadd.s32 s21, s2  }
0x9d: {  	[timem:s6], [sflag:s22] =	dma.local [hbm:s4], s20  }
0x9e: {  	_ =	swait.ge [sflag:s22], s20  }
0x9f: {  	s3 =	ssub.s32 $0x0, s20;
	[sflag:s22] =	ssyncset.done $0x0  }
0xa0: {  	[sflag:s22] =	ssyncadd.s32 s3;
	_ =	sdelay $0x1  }
0xa1: {  	s23 =	simm.s32 $0x1B8B  }
0xa2: {  	_ =	swait.ge [sflag:s23], $0x1  }
0xa3: {  	[sflag:s23] =	ssyncset.done $0x0  }
0xa4: {  	s25 =	simm.s32 $0x1B8E;
	s24 =	sld [smem:$0x3FFE];
	[sflag:s23] =	ssyncadd.s32 $0xFFFFFFFF  }
0xa5: {  	s26 =	simm.s32 $execute0_lowered;
	[smem:$0x3FD2] =	sst s25  }
0xa6: {  	s4 =	sshll.u32 s26, $0x1;
	_ =	strace $0x80000049;
	[dreg:$0x1] =	wrdreg $0xFFFFFFFF  }
0xa7: {  	s28 =	simm.s32 $_size_execute0_lowered;
	s2 =	sadd.s32 s2, s4;
	[dreg:$0x0] =	wrdreg $0x0  }
0xa8: {  	s4 =	sshll.u32 s28, $0x1;
	[dreg:$0x2] =	wrdreg s2  }
0xa9: {  	[dreg:$0x3] =	wrdreg s4  }
0xaa: {  	[dreg:$0x4] =	wrdreg $0xC0  }
0xab: {  	_ =	task [dreg:s6], $0x5FFFF  }
0xac: {  	[dreg:$0x1] =	wrdreg $0xFFFFFFFF  }
0xad: {  	[dreg:$0x0] =	wrdreg $0x60  }
0xae: {  	[dreg:$0x2] =	wrdreg s24  }
0xaf: {  	[dreg:$0x3] =	wrdreg $0x0  }
0xb0: {  	[dreg:$0x4] =	wrdreg $0x9  }
0xb1: {  	_ =	task.clear_ibuf [dreg:s6], $0x5FFFF;
	_ =	strace $0x90000049  }
0xb2: {  	s29 =	simm.s32 $0x9;
	_ =	strace $0x8000004B  }
0xb3: {  	_ =	swait.ge [sflag:s29], $0x1  }
0xb4: {  	[sflag:s29] =	ssyncadd.s32 $0xFFFFFFFF  }
0xb5: {  	_ =	strace $0x9000004B  }
0xb6: {  	_ =	sfence  }
0xb7: {  	s30 =	sld [smem:$0x0];
	_ =	sdelay $0x2  }
0xb8: {  	s31 =	sshll.u32 s1, $0xD;
	s1 =	sshrl.u32 s1, $0x2  }
0xb9: {  	s3 =	sand.u32 $0x4000, s31;
	s1 =	sadd.s32 s1, s30  }
0xba: {  	s0 =	sor.u32 s3, s0;
	s1 =	sshll.u32 s1, $0x11  }
0xbb: {  	s0 =	sor.u32 s1, s0  }
0xbc: {  	s0 =	sadd.s32 $0x8F2B, s0  }
0xbd: {  	[sflag:s0] =	ssyncadd.remote.s32 $0x1  }
0xbe: {  	_ =	sfence.sel $0xFFFF  }
0xbf: {  	[dreg:$0x0] =	wrdreg $0xFFFFFFFF;
	(pc) =	sbr.abs _section_cstart, $3  }
0xc0: {  	[dreg:$0x1] =	wrdreg $0xFFFFFFFF  }
0xc1: {  	_ =	task.clear_ibuf [dreg:s6], $0x2FFFF;
	_ =	strace $0x9FFFFFFF  }
0xc2: {  	(tm) =	ssettm $0x7FFFFFFF  }
0xc3: {  	_ =	shalt  }
tec
execute0_lowered:
.L_overlay_start_1:
0x0: {  	(tag) =	ssettag $0x1  }
0x1: {  	s0 =	stileid.u32  }
0x2: {  	s1 =	rddreg [dreg:$0x0];
	s4 =	smul.u32 $0x4E200, s0  }
0x3: {  	s3 =	srdreg.scid;
	s5 =	smul.u32 $0x4E20, s0  }
0x4: {  	s2 =	rddreg [dreg:$0x1];
	s13 =	sand.u32 $0x1, s3;
	s26 =	smul.u32 $0x4E000, s0  }
0x5: {  	s28 =	simm.s32 $0x50;
	s29 =	simm.s32 $0x0;
	s6 =	smul.u32 $0x2710, s13  }
0x6: {  	s3 =	simm.s32 $0x0;
	p0 =	sne.s32 s0, $0xF;
	s20 =	smul.u32 $0x138800, s13  }
0x7: {  	[smem:$0x7FF] =	sst s3;
	s24 =	ssub.s32 $0x2, s13;
	s22 =	smul.u32 $0x27100, s13  }
0x8: {  	_ =	strace $0x8000004A;
	s19 =	sadd.s32 s4, s1;
	s25 =	sshrl.u32 s24, $0x1  }
0x9: {  	s8 =	sshrl.u32 s26, $0x2;
	s26 =	simm.s32 $0x13900;
	s23 =	sadd.s32 s6, s5  }
0xa: {  	s7 =	ssub.s32 s24, s25;
	s30 =	sshrl.u32 s20, $0x3;
	s22 =	sadd.s32 s22, s19  }
0xb: {  	s24 =	simm.s32 $0x1;
	s25 =	simm.s32 $0x13880;
	s4 =	sshrl.u32 s23, $0x3  }
0xc: {  	s6 =	smax.u32 s7, $0x1;
	s7 =	sadd.s32 s8, s2;
	s23 =	smul.u32 $0x13800, s0  }
0xd: {  	s21 =	sadd.s32 s4, s1;
	s1 =	sadd.s32 $0x18E00, s1;
	s4 =	sadd.s32 $0x138000, s2  }
0xe: {  	s8 =	sadd.s32 $0x1800, s7;
	s9 =	sadd.s32 $0x3000, s7;
	s10 =	sadd.s32 $0x4800, s7  }
0xf: {  	s11 =	sadd.s32 $0x6000, s7;
	s12 =	sadd.s32 $0x7800, s7;
	s13 =	sadd.s32 $0x9000, s7  }
0x10: {  	s14 =	sadd.s32 $0xA800, s7;
	s15 =	sadd.s32 $0xC000, s7;
	s16 =	sadd.s32 $0xD800, s7  }
0x11: {  	s17 =	sadd.s32 $0xF000, s7;
	s18 =	sadd.s32 $0x10800, s7;
	s19 =	sadd.s32 $0x12000, s7  }
0x12: {  	s5 =	sadd.s32 s1, s30;
	s23 =	sadd.s32 s23, s20;
	s20 =	sadd.s32 $0x567400, s22  }
0x13: {  	s21 =	sadd.s32 $0xF000, s21;
	s5 =	sadd.s32 $0x27000, s5;
	s31 =	sshrl.u32 s23, $0x3  }
0x14: {  	v0 =	vimm.f32 $0.0e+00;
	s23 =	simm.s32 $0x16100;
	[dreg:$0x3] =	wrdreg s5;
	s22 =	sadd.s32 s31, s1  }
.LBB2_1:
0x15: {  	s1 =	sand.u32 $0x7E00, s3  }
0x16: {  	s31 =	sand.u32 $0x70, s3;
	s1 =	sshrl.u32 s1, $0x2  }
0x17: {  	s30 =	simm.s32 $0x40;
	s1 =	sor.u32 s31, s1;
	s31 =	simm.s32 $0x0  }
.LBB2_2:
0x18: {  	p1 =	sne.s32 s30, $0x5FC0  }
0x19: {  	[tilespmem:s1+$0x16100] =	vst v0;
	s31 =	sadd.s32 $0x10, s31;
	s1 =	smov.u32 s30;
	s30 =	sadd.s32 $0x40, s30  }
.Ltmp0:
0x1a: {  	(pc) =	sbr.rel @p1 .LBB2_2-.Ltmp0, $4  }
0x1b: {  	_ = 	snop  }
0x1c: {  	s1 =	sand.u32 $0x7E00, s1  }
0x1d: {  	s0 =	sand.u32 $0x70, s31;
	s1 =	sshrl.u32 s1, $0x2  }
0x1e: {  	s1 =	sor.u32 s0, s1  }
0x1f: {  	[tilespmem:s1+$0x16100] =	vst v0  }
0x20: {  	[spmem:s7] =	stream.linear.scatter [tilespmem:s23], [sflag:$0x1], $0x1800, $0x38;
	[tilespmem:$0x17900] =	vst v63  }
0x21: {  	_ =	swait.ge [sflag:s24], $0x1800  }
0x22: {  	[sflag:s24] =	ssyncset.done $0x0  }
0x23: {  	[sflag:s24] =	ssyncadd.s32 $0xFFFFE800  }
0x24: {  	[spmem:s8] =	stream.linear.scatter [tilespmem:s23], [sflag:$0x1], $0x1800, $0x38;
	[tilespmem:$0x17900] =	vst v63  }
0x25: {  	_ =	swait.ge [sflag:s24], $0x1800  }
0x26: {  	[sflag:s24] =	ssyncset.done $0x0  }
0x27: {  	[sflag:s24] =	ssyncadd.s32 $0xFFFFE800  }
0x28: {  	[spmem:s9] =	stream.linear.scatter [tilespmem:s23], [sflag:$0x1], $0x1800, $0x38;
	[tilespmem:$0x17900] =	vst v63  }
0x29: {  	_ =	swait.ge [sflag:s24], $0x1800  }
0x2a: {  	[sflag:s24] =	ssyncset.done $0x0  }
0x2b: {  	[sflag:s24] =	ssyncadd.s32 $0xFFFFE800  }
0x2c: {  	[spmem:s10] =	stream.linear.scatter [tilespmem:s23], [sflag:$0x1], $0x1800, $0x38;
	[tilespmem:$0x17900] =	vst v63  }
0x2d: {  	_ =	swait.ge [sflag:s24], $0x1800  }
0x2e: {  	[sflag:s24] =	ssyncset.done $0x0  }
0x2f: {  	[sflag:s24] =	ssyncadd.s32 $0xFFFFE800  }
0x30: {  	[spmem:s11] =	stream.linear.scatter [tilespmem:s23], [sflag:$0x1], $0x1800, $0x38;
	[tilespmem:$0x17900] =	vst v63  }
0x31: {  	_ =	swait.ge [sflag:s24], $0x1800  }
0x32: {  	[sflag:s24] =	ssyncset.done $0x0  }
0x33: {  	[sflag:s24] =	ssyncadd.s32 $0xFFFFE800  }
0x34: {  	[spmem:s12] =	stream.linear.scatter [tilespmem:s23], [sflag:$0x1], $0x1800, $0x38;
	[tilespmem:$0x17900] =	vst v63  }
0x35: {  	_ =	swait.ge [sflag:s24], $0x1800  }
0x36: {  	[sflag:s24] =	ssyncset.done $0x0  }
0x37: {  	[sflag:s24] =	ssyncadd.s32 $0xFFFFE800  }
0x38: {  	[spmem:s13] =	stream.linear.scatter [tilespmem:s23], [sflag:$0x1], $0x1800, $0x38;
	[tilespmem:$0x17900] =	vst v63  }
0x39: {  	_ =	swait.ge [sflag:s24], $0x1800  }
0x3a: {  	[sflag:s24] =	ssyncset.done $0x0  }
0x3b: {  	[sflag:s24] =	ssyncadd.s32 $0xFFFFE800  }
0x3c: {  	[spmem:s14] =	stream.linear.scatter [tilespmem:s23], [sflag:$0x1], $0x1800, $0x38;
	[tilespmem:$0x17900] =	vst v63  }
0x3d: {  	_ =	swait.ge [sflag:s24], $0x1800  }
0x3e: {  	[sflag:s24] =	ssyncset.done $0x0  }
0x3f: {  	[sflag:s24] =	ssyncadd.s32 $0xFFFFE800  }
0x40: {  	[spmem:s15] =	stream.linear.scatter [tilespmem:s23], [sflag:$0x1], $0x1800, $0x38;
	[tilespmem:$0x17900] =	vst v63  }
0x41: {  	_ =	swait.ge [sflag:s24], $0x1800  }
0x42: {  	[sflag:s24] =	ssyncset.done $0x0  }
0x43: {  	[sflag:s24] =	ssyncadd.s32 $0xFFFFE800  }
0x44: {  	[spmem:s16] =	stream.linear.scatter [tilespmem:s23], [sflag:$0x1], $0x1800, $0x38;
	[tilespmem:$0x17900] =	vst v63  }
0x45: {  	_ =	swait.ge [sflag:s24], $0x1800  }
0x46: {  	[sflag:s24] =	ssyncset.done $0x0  }
0x47: {  	[sflag:s24] =	ssyncadd.s32 $0xFFFFE800  }
0x48: {  	[spmem:s17] =	stream.linear.scatter [tilespmem:s23], [sflag:$0x1], $0x1800, $0x38;
	[tilespmem:$0x17900] =	vst v63  }
0x49: {  	_ =	swait.ge [sflag:s24], $0x1800  }
0x4a: {  	[sflag:s24] =	ssyncset.done $0x0  }
0x4b: {  	[sflag:s24] =	ssyncadd.s32 $0xFFFFE800  }
0x4c: {  	[spmem:s18] =	stream.linear.scatter [tilespmem:s23], [sflag:$0x1], $0x1800, $0x38;
	[tilespmem:$0x17900] =	vst v63  }
0x4d: {  	_ =	swait.ge [sflag:s24], $0x1800  }
0x4e: {  	[sflag:s24] =	ssyncset.done $0x0  }
0x4f: {  	[sflag:s24] =	ssyncadd.s32 $0xFFFFE800  }
0x50: {  	[spmem:s19] =	stream.linear.scatter [tilespmem:s23], [sflag:$0x1], $0x1800, $0x38;
	[tilespmem:$0x17900] =	vst v63  }
0x51: {  	_ =	swait.ge [sflag:s24], $0x1800  }
0x52: {  	[sflag:s24] =	ssyncset.done $0x0  }
0x53: {  	s0 =	simm.s32 @!p0 $0x16100;
	[sflag:s24] =	ssyncadd.s32 $0xFFFFE800  }
0x54: {  	[spmem:s4] =	stream.linear.scatter @!p0 [tilespmem:s0], [sflag:$0x1], $0x800, $0x38;
	[tilespmem:$0x17900] =	vst v63  }
0x55: {  	s0 =	simm.s32 @!p0 $0x1  }
0x56: {  	_ =	swait.ge @!p0 [sflag:s0], $0x800  }
0x57: {  	[sflag:s0] =	ssyncset.done @!p0 $0x0  }
0x58: {  	[sflag:s0] =	ssyncadd.s32 @!p0 $0xFFFFF800  }
0x59: {  	s5 =	sadd.s32 $0x0, s21;
	[bflag:$0x0] =	sbarrier.arrive $0xFFFF  }
0x5a: {  	[tilespmem:s25], [sflag:$0x1] =	stream.linear.gather [hbm4b:s5+s3], $0x50, $0x38;
	[tilespmem:$0x17900] =	vst v63  }
0x5b: {  	_ =	swait.ge [sflag:s24], $0x50  }
0x5c: {  	[sflag:s24] =	ssyncset.done $0x0  }
0x5d: {  	[sflag:s24] =	ssyncadd.s32 $0xFFFFFFB0  }
0x5e: {  	[tilespmem:s26], [sflag:$0x1] =	stream.linear.gather [hbm4b:s20+s3], $0x2800, $0x38;
	[tilespmem:$0x17900] =	vst v63  }
0x5f: {  	_ =	swait.ge [sflag:s24], $0x2800  }
0x60: {  	[sflag:s24] =	ssyncset.done $0x0  }
0x61: {  	[sflag:s24] =	ssyncadd.s32 $0xFFFFD800  }
0x62: {  	[spmem:s2] =	stream.indirect.scatter.add.f32 [tilespmem:s26], [sflag:$0x1], $0x80, s25, s28, $0xb8;
	[tilespmem:$0x17900] =	vst v63  }
0x63: {  	s31 =	simm.s32 $0xA;
	_ =	swait.ge [sflag:s24], $0x2800  }
0x64: {  	s1 =	simm.s32 $0x14;
	s30 =	sadd.s32 $0x500, s20;
	[sflag:s24] =	ssyncset.done $0x0  }
.LBB2_4:
0x65: {  	s0 =	sadd.s32 s31, s21  }
0x66: {  	[sflag:s24] =	ssyncadd.s32 $0xFFFFD800;
	s31 =	smov.u32 s1;
	s5 =	sadd.s32 $0xA, s1  }
0x67: {  	[tilespmem:s25], [sflag:$0x1] =	stream.linear.gather [hbm4b:s0+s3], $0x50, $0x38;
	[tilespmem:$0x17900] =	vst v63  }
0x68: {  	p1 =	sne.s32 s1, $0x4D8;
	_ =	swait.ge [sflag:s24], $0x50  }
0x69: {  	[sflag:s24] =	ssyncset.done $0x0  }
0x6a: {  	[sflag:s24] =	ssyncadd.s32 $0xFFFFFFB0  }
0x6b: {  	[tilespmem:s26], [sflag:$0x1] =	stream.linear.gather [hbm4b:s30+s3], $0x2800, $0x38;
	[tilespmem:$0x17900] =	vst v63  }
0x6c: {  	_ =	swait.ge [sflag:s24], $0x2800  }
.Ltmp1:
0x6d: {  	[sflag:s24] =	ssyncset.done $0x0;
	(pc) =	sbr.rel @p1 .LBB2_4-.Ltmp1, $4  }
0x6e: {  	[sflag:s24] =	ssyncadd.s32 $0xFFFFD800  }
0x6f: {  	[spmem:s2] =	stream.indirect.scatter.add.f32 [tilespmem:s26], [sflag:$0x1], $0x80, s25, s28, $0xb8;
	[tilespmem:$0x17900] =	vst v63  }
0x70: {  	_ =	swait.ge [sflag:s24], $0x2800  }
0x71: {  	s1 =	smov.u32 s5;
	s30 =	sadd.s32 $0x500, s30;
	[sflag:s24] =	ssyncset.done $0x0  }
0x72: {  	s0 =	sadd.s32 s31, s21;
	[sflag:s24] =	ssyncadd.s32 $0xFFFFD800  }
0x73: {  	[tilespmem:s25], [sflag:$0x1] =	stream.linear.gather [hbm4b:s0+s3], $0x50, $0x38;
	[tilespmem:$0x17900] =	vst v63  }
0x74: {  	_ =	swait.ge [sflag:s24], $0x50  }
0x75: {  	[sflag:s24] =	ssyncset.done $0x0  }
0x76: {  	[sflag:s24] =	ssyncadd.s32 $0xFFFFFFB0  }
0x77: {  	[tilespmem:s26], [sflag:$0x1] =	stream.linear.gather [hbm4b:s30+s3], $0x2800, $0x38;
	[tilespmem:$0x17900] =	vst v63  }
0x78: {  	_ =	swait.ge [sflag:s24], $0x2800  }
0x79: {  	[sflag:s24] =	ssyncset.done $0x0  }
0x7a: {  	[sflag:s24] =	ssyncadd.s32 $0xFFFFD800  }
0x7b: {  	[spmem:s2] =	stream.indirect.scatter.add.f32 [tilespmem:s26], [sflag:$0x1], $0x80, s25, s28, $0xb8;
	[tilespmem:$0x17900] =	vst v63  }
0x7c: {  	_ =	swait.ge [sflag:s24], $0x2800  }
0x7d: {  	[sflag:s24] =	ssyncset.done $0x0  }
0x7e: {  	[sflag:s24] =	ssyncadd.s32 $0xFFFFD800  }
0x7f: {  	[bflag:$0x0] =	sbarrier.arrive $0xFFFF  }
0x80: {  	[tilespmem:s23], [sflag:$0x1] =	stream.linear.gather [spmem:s7], $0x1800, $0x38;
	[tilespmem:$0x17900] =	vst v63  }
0x81: {  	_ =	swait.ge [sflag:s24], $0x1800  }
0x82: {  	[sflag:s24] =	ssyncset.done $0x0  }
0x83: {  	s5 =	sadd.s32 $0x0, s22;
	[sflag:s24] =	ssyncadd.s32 $0xFFFFE800  }
0x84: {  	[hbm4b:s5+s3] =	stream.linear.scatter [tilespmem:s23], [sflag:$0x1], $0x1800, $0x38;
	[tilespmem:$0x17900] =	vst v63  }
0x85: {  	_ =	swait.ge [sflag:s24], $0x1800  }
0x86: {  	s31 =	smov.u32 s7;
	s30 =	simm.s32 $0x300;
	[sflag:s24] =	ssyncset.done $0x0  }
.LBB2_6:
0x87: {  	p1 =	sne.s32 s30, $0x2400;
	[sflag:s24] =	ssyncadd.s32 $0xFFFFE800;
	s31 =	sadd.s32 $0x1800, s31  }
0x88: {  	[tilespmem:s23], [sflag:$0x1] =	stream.linear.gather [spmem:s31], $0x1800, $0x38;
	[tilespmem:$0x17900] =	vst v63  }
0x89: {  	s0 =	smov.u32 s30;
	s30 =	sadd.s32 $0x300, s30;
	_ =	swait.ge [sflag:s24], $0x1800  }
.Ltmp2:
0x8a: {  	[sflag:s24] =	ssyncset.done $0x0;
	(pc) =	sbr.rel @p1 .LBB2_6-.Ltmp2, $4  }
0x8b: {  	s0 =	sadd.s32 s0, s22;
	[sflag:s24] =	ssyncadd.s32 $0xFFFFE800  }
0x8c: {  	[hbm4b:s0+s3] =	stream.linear.scatter [tilespmem:s23], [sflag:$0x1], $0x1800, $0x38;
	[tilespmem:$0x17900] =	vst v63  }
0x8d: {  	_ =	swait.ge [sflag:s24], $0x1800  }
0x8e: {  	[sflag:s24] =	ssyncset.done $0x0  }
0x8f: {  	[sflag:s24] =	ssyncadd.s32 $0xFFFFE800;
	s0 =	simm.s32 @!p0 $0x16100;
	s1 =	simm.s32 @!p0 $0x1  }
0x90: {  	[tilespmem:s0], [sflag:$0x1] =	stream.linear.gather @!p0 [spmem:s4], $0x800, $0x38;
	[tilespmem:$0x17900] =	vst v63  }
0x91: {  	s29 =	sadd.s32 $0x1, s29;
	_ =	swait.ge @!p0 [sflag:s1], $0x800  }
0x92: {  	s5 =	simm.s32 @!p0 $0x0;
	p1 =	sne.s32 s29, s6;
	[sflag:s1] =	ssyncset.done @!p0 $0x0  }
.Ltmp3:
0x93: {  	s30 =	rddreg [dreg:$0x3];
	[sflag:s1] =	ssyncadd.s32 @!p0 $0xFFFFF800;
	(pc) =	sbr.rel @p1 .LBB2_1-.Ltmp3, $4  }
0x94: {  	[hbm4b:s30+s5] =	stream.linear.scatter @!p0 [tilespmem:s0], [sflag:$0x1], $0x800, $0x38;
	[tilespmem:$0x17900] =	vst v63  }
0x95: {  	_ =	swait.ge @!p0 [sflag:s1], $0x800  }
0x96: {  	[sflag:s1] =	ssyncset.done @!p0 $0x0  }
0x97: {  	[sflag:s1] =	ssyncadd.s32 @!p0 $0xFFFFF800  }
0x98: {  	_ =	sfence.sel $0x180000  }
0x99: {  	[bflag:$0x0] =	sbarrier.arrive $0xFFFF  }
0x9a: {  	_ =	strace $0x9000004A  }
0x9b: {  	s0 =	stileid.u32;
	[bflag:$0x2] =	sbarrier.arrive $0xFFFF  }
0x9c: {  	p0 =	sne.s32 s0, $0x0;
	s0 =	rddreg [dreg:$0x2]  }
0x9d: {  	s0 =	sadd.s32 @!p0 $0x100000, s0  }
0x9e: {  	[sflag:s0] =	ssyncadd.tile.s32 @!p0 $0x1;
	_ =	shalt  }
.Lfunc_end2:
_tile_overlayer_lowered:
.L_overlay_start_2:
0x9f: {  	(tag) =	ssettag $0x2  }
0xa0: {  	s0 =	rddreg [dreg:$0x0];
	s2 =	stileid.u32  }
0xa1: {  	s1 =	rddreg [dreg:$0x1];
	p0 =	sne.s32 s2, $0x0  }
0xa2: {  	s3 =	rddreg [dreg:$0x2];
	[bflag:$0x3] =	sbarrier.arrive $0xFFFF;
	s2 =	simm.s32 @!p0 $0x1C01  }
0xa3: {  	[timem:s3], [sflag:s2] =	dma.local @!p0 [hbm:s0], s1  }
0xa4: {  	s0 =	simm.s32 @!p0 $0x1  }
0xa5: {  	_ =	swait.ge @!p0 [sflag:s0], s1  }
0xa6: {  	s1 =	ssub.s32 @!p0 $0x0, s1;
	[sflag:s0] =	ssyncset.done @!p0 $0x0  }
0xa7: {  	[sflag:s0] =	ssyncadd.s32 @!p0 s1  }
0xa8: {  	[bflag:$0x3] =	sbarrier.arrive $0xFFFF  }
0xa9: {  	_ =	shalt  }

</sc_bundles>
